<compile_context>
chip_gen: v7x
topology: tpu7x:2x2x1
jax: 0.10.2.dev20260603
libtpu: 0.0.44.dev20260713+nightly
codegen_flags: <defaults>
</compile_context>

<pallas_src>
import functools

import jax
import jax.numpy as jnp
from jax import lax
from jax.experimental import pallas as pl
from jax.experimental.pallas import tpu as pltpu
from jax.experimental.pallas import tpu_sc as plsc

NC = 2
NS = 16
L = 16
NW = NC * NS
ROWS = 128
COLS = 32768
N = ROWS * COLS

SC_ROWS = 16
PER_W = SC_ROWS * COLS // NW
CHUNK = 8192
NCHUNK = PER_W // CHUNK
NBUF = min(4, NCHUNK)
U = 8
G = 16
VECS = CHUNK // L

TC_ROW0 = SC_ROWS
BR = 16
QR = 8
NQ = BR // QR
TC_BLK0 = TC_ROW0 // BR
TC_QB0 = TC_ROW0 // QR
NBLK = (ROWS - TC_ROW0) // BR

_INT_MAX = 2**31 - 1

_mesh = plsc.VectorSubcoreMesh(core_axis_name="c", subcore_axis_name="s")


def _chunk_lane_max(bufc):
    init = tuple(jnp.full((L,), -jnp.inf, jnp.float32) for _ in range(U))

    def body(j, accs):
        base = j * (G * L)
        new = list(accs)
        for t in range(G):
            v = bufc[pl.ds(base + t * L, L)]
            k = t % U
            new[k] = jnp.maximum(new[k], v)
        return tuple(new)

    accs = lax.fori_loop(0, VECS // G, body, init)
    m = accs[0]
    for k in range(1, U):
        m = jnp.maximum(m, accs[k])
    return m


@functools.partial(
    pl.kernel,
    out_type=(
        jax.ShapeDtypeStruct((NW, L), jnp.float32),
        jax.ShapeDtypeStruct((NW, L), jnp.int32),
    ),
    mesh=_mesh,
    scratch_types=[
        pltpu.VMEM((NBUF, CHUNK), jnp.float32),
        pltpu.VMEM((L,), jnp.float32),
        pltpu.VMEM((L,), jnp.int32),
    ] + [pltpu.SemaphoreType.DMA] * NBUF,
)
def _scan_kernel(x_hbm, vals_hbm, idxs_hbm, bufs, vout, iout, *sems):
    wid = lax.axis_index("s") * NC + lax.axis_index("c")
    base = wid * PER_W

    def chunk_src_dyn(coff):
        off = base + coff
        return x_hbm.at[off // COLS, pl.ds(off % COLS, CHUNK)]

    descs = [None] * NBUF
    for c in range(NBUF - 1):
        descs[c] = pltpu.async_copy(chunk_src_dyn(c * CHUNK), bufs.at[c], sems[c])

    gm = jnp.full((L,), -jnp.inf, jnp.float32)
    gc = jnp.zeros((L,), jnp.int32)
    for c in range(NCHUNK):
        nc_ = c + NBUF - 1
        if nc_ < NCHUNK:
            b = nc_ % NBUF
            descs[b] = pltpu.async_copy(chunk_src_dyn(nc_ * CHUNK), bufs.at[b], sems[b])
        descs[c % NBUF].wait()
        mc = _chunk_lane_max(bufs.at[c % NBUF])
        upd = mc > gm
        gm = jnp.where(upd, mc, gm)
        gc = jnp.where(upd, jnp.full((L,), c, jnp.int32), gc)

    gv = gm[0]
    cstar = gc[0]
    for l in range(1, L):
        v = gm[l]
        c = gc[l]
        better = (v > gv) | ((v == gv) & (c < cstar))
        gv = jnp.where(better, v, gv)
        cstar = jnp.where(better, c, cstar)
    gvec = jnp.full((L,), gv, jnp.float32)

    pltpu.async_copy(chunk_src_dyn(cstar * CHUNK), bufs.at[0], sems[0]).wait()

    UB = 4
    iota = lax.iota(jnp.int32, L)
    fis = [jnp.full((L,), _INT_MAX, jnp.int32) for _ in range(UB)]
    idxvs = [iota + k * L for k in range(UB)]

    def locate(j, carry):
        fis, idxvs = carry
        base_j = j * (UB * L)
        nf, ni = [], []
        for k in range(UB):
            v = bufs[0, pl.ds(base_j + k * L, L)]
            cand = jnp.where(v == gvec, idxvs[k], _INT_MAX)
            nf.append(jnp.minimum(fis[k], cand))
            ni.append(idxvs[k] + UB * L)
        return tuple(nf), tuple(ni)

    fis, _ = lax.fori_loop(0, VECS // UB, locate, (tuple(fis), tuple(idxvs)))
    fi = fis[0]
    for k in range(1, UB):
        fi = jnp.minimum(fi, fis[k])
    gi = fi[0]
    for l in range(1, L):
        gi = jnp.minimum(gi, fi[l])
    gi = base + cstar * CHUNK + gi

    vout[...] = gvec
    iout[...] = jnp.full((L,), gi, jnp.int32)
    pltpu.sync_copy(vout, vals_hbm.at[wid])
    pltpu.sync_copy(iout, idxs_hbm.at[wid])


def _tc_pass1_body(x_ref, outv_ref, outb_ref, sm_ref, sb_ref):
    i = pl.program_id(0)
    v = x_ref[...]

    @pl.when(i == 0)
    def _():
        sm_ref[0] = -jnp.inf
        sb_ref[0] = 0

    for q in range(NQ):
        m_q = jnp.max(v[q * QR:(q + 1) * QR, :])
        better = m_q > sm_ref[0]
        sm_ref[0] = jnp.where(better, m_q, sm_ref[0])
        sb_ref[0] = jnp.where(better, TC_QB0 + i * NQ + q, sb_ref[0])

    @pl.when(i == NBLK - 1)
    def _():
        outv_ref[0] = sm_ref[0]
        outb_ref[0] = sb_ref[0]


_tc_pass1 = pl.pallas_call(
    _tc_pass1_body,
    grid=(NBLK,),
    in_specs=[pl.BlockSpec((BR, COLS), lambda i: (TC_BLK0 + i, 0))],
    out_specs=[
        pl.BlockSpec(memory_space=pltpu.SMEM),
        pl.BlockSpec(memory_space=pltpu.SMEM),
    ],
    out_shape=[
        jax.ShapeDtypeStruct((1,), jnp.float32),
        jax.ShapeDtypeStruct((1,), jnp.int32),
    ],
    scratch_shapes=[
        pltpu.SMEM((1,), jnp.float32),
        pltpu.SMEM((1,), jnp.int32),
    ],
)


def _tc_pass2_body(b_ref, x_ref, gv_ref, sc_vals_ref, sc_idxs_ref, out_ref):
    v = x_ref[...]
    m = gv_ref[0]
    ri = lax.broadcasted_iota(jnp.int32, (QR, COLS), 0)
    ci = lax.broadcasted_iota(jnp.int32, (QR, COLS), 1)
    flat = ri * COLS + ci
    local = jnp.min(jnp.where(v == m, flat, _INT_MAX))
    ti = b_ref[0] * (QR * COLS) + local

    sv = sc_vals_ref[...]
    si = sc_idxs_ref[...]
    m_sc = jnp.max(sv)
    i_sc = jnp.min(jnp.where(sv == m_sc, si, _INT_MAX))
    out_ref[0] = jnp.where(m > m_sc, ti, i_sc)


_tc_pass2 = pl.pallas_call(
    _tc_pass2_body,
    grid_spec=pltpu.PrefetchScalarGridSpec(
        num_scalar_prefetch=1,
        grid=(1,),
        in_specs=[
            pl.BlockSpec((QR, COLS), lambda i, b_ref: (b_ref[0], 0)),
            pl.BlockSpec(memory_space=pltpu.SMEM),
            pl.BlockSpec(memory_space=pltpu.VMEM),
            pl.BlockSpec(memory_space=pltpu.VMEM),
        ],
        out_specs=pl.BlockSpec(memory_space=pltpu.SMEM),
    ),
    out_shape=jax.ShapeDtypeStruct((1,), jnp.int32),
)


def kernel(input):
    vals, idxs = _scan_kernel(input)
    tc_v, tc_b = _tc_pass1(input)
    out = _tc_pass2(tc_b, input, tc_v, vals, idxs)
    return out[0].astype(jnp.int64)

# --- scband reference (transcript-rebuilt; emitter-appended) ---
"""Pipeline reference for scband-net-argmax-88802743812500 (READ-ONLY COPY).

The authoritative reference and input builder live on the scoring server;
editing this copy changes nothing except your own understanding.
"""

import jax, jax.numpy as jnp
import numpy as np

def setup_inputs(seed: int = 0) -> dict:
    key = jax.random.key(seed)
    input = jax.random.normal(key, (128, 32768), dtype=jnp.float32)
    return {"input": input}

def reference(input) -> jnp.ndarray:
    # torch.argmax(input) with no dim flattens the tensor and returns the flat index (int64)
    return jnp.argmax(input.reshape(-1)).astype(jnp.int64)

if __name__ == "__main__":
    import jax
    _d = setup_inputs()
    print(jax.jit(kernel)(*tuple(_d.values())))

</pallas_src>

<mosaic_0001>
#map = affine_map<(d0, d1) -> (0, 0)>
module attributes {stable_mosaic.version = 14 : i64} {
  func.func @_scan_kernel(%arg0: i32, %arg1: i32, %arg2: memref<128x32768xf32, #tpu.memory_space<hbm>>, %arg3: memref<32x16xf32, #tpu.memory_space<hbm>>, %arg4: memref<32x16xi32, #tpu.memory_space<hbm>>, %arg5: memref<2x8192xf32, #tpu.memory_space<vmem>>, %arg6: memref<16xf32, #tpu.memory_space<vmem>>, %arg7: memref<16xi32, #tpu.memory_space<vmem>>, %arg8: memref<!tpu.dma_semaphore, #tpu.memory_space<semaphore_mem>>, %arg9: memref<!tpu.dma_semaphore, #tpu.memory_space<semaphore_mem>>) attributes {dimension_semantics = [#tpu.dimension_semantics<core_parallel>, #tpu.dimension_semantics<subcore_parallel>], iteration_bounds = array<i64: 2, 16>, scalar_prefetch = 0 : i64, scratch_operands = 5 : i64, tpu.core_type = #tpu.core_type<sc_vector_subcore>, window_params = [{transform_indices = #map}, {transform_indices = #map}, {transform_indices = #map}]} {
    %mul3A = arith.constant 2 : i32
    %mul3A_0 = arith.muli %arg1, %mul3A : i32
    %add3A = arith.addi %mul3A_0, %arg0 : i32
    %mul3A_1 = arith.constant 16384 : i32
    %mul3A_2 = arith.muli %add3A, %mul3A_1 : i32
    %add3A_3 = arith.constant 0 : i32
    %add3A_4 = arith.addi %mul3A_2, %add3A_3 : i32
    %jit3A = arith.constant 32768 : i32
    %div3A = arith.divsi %add3A_4, %jit3A : i32
    %sign3A = arith.constant 0 : i32
    %sign3A_5 = arith.cmpi sgt, %add3A_4, %sign3A : i32
    %sign3A_6 = arith.extui %sign3A_5 : i1 to i32
    %sign3A_7 = arith.constant 0 : i32
    %sign3A_8 = arith.cmpi slt, %add3A_4, %sign3A_7 : i32
    %sign3A_9 = arith.extui %sign3A_8 : i1 to i32
    %sign3A_10 = arith.subi %sign3A_6, %sign3A_9 : i32
    %sign3A_11 = arith.constant 0 : i32
    %sign3A_12 = arith.cmpi sgt, %jit3A, %sign3A_11 : i32
    %sign3A_13 = arith.extui %sign3A_12 : i1 to i32
    %sign3A_14 = arith.constant 0 : i32
    %sign3A_15 = arith.cmpi slt, %jit3A, %sign3A_14 : i32
    %sign3A_16 = arith.extui %sign3A_15 : i1 to i32
    %sign3A_17 = arith.subi %sign3A_13, %sign3A_16 : i32
    %ne3A = arith.cmpi ne, %sign3A_10, %sign3A_17 : i32
    %rem3A = arith.remsi %add3A_4, %jit3A : i32
    %ne3A_18 = arith.constant 0 : i32
    %ne3A_19 = arith.cmpi ne, %rem3A, %ne3A_18 : i32
    %and3A = arith.andi %ne3A, %ne3A_19 : i1
    %sub3A = arith.constant 1 : i32
    %sub3A_20 = arith.subi %div3A, %sub3A : i32
    %select_n3A = arith.select %and3A, %sub3A_20, %div3A : i32
    %jit3A_21 = arith.constant 32768 : i32
    %eq3A = arith.constant 0 : i32
    %eq3A_22 = arith.cmpi eq, %jit3A_21, %eq3A : i32
    %jit3A_23 = arith.constant 1 : i32
    %select_n3A_24 = arith.select %eq3A_22, %jit3A_23, %jit3A_21 : i32
    %rem3A_25 = arith.remsi %add3A_4, %select_n3A_24 : i32
    %ne3A_26 = arith.constant 0 : i32
    %ne3A_27 = arith.cmpi ne, %rem3A_25, %ne3A_26 : i32
    %lt3A = arith.constant 0 : i32
    %lt3A_28 = arith.cmpi slt, %rem3A_25, %lt3A : i32
    %lt3A_29 = arith.constant 0 : i32
    %lt3A_30 = arith.cmpi slt, %select_n3A_24, %lt3A_29 : i32
    %ne3A_31 = arith.xori %lt3A_28, %lt3A_30 : i1
    %and3A_32 = arith.andi %ne3A_31, %ne3A_27 : i1
    %add3A_33 = arith.addi %rem3A_25, %select_n3A_24 : i32
    %select_n3A_34 = arith.select %and3A_32, %add3A_33, %rem3A_25 : i32
    %dma_start3A = arith.constant 0 : i32
    %dma_start3A_35 = arith.constant 0 : i32
    %dma_start3A_36 = tpu.memref_slice %arg5[%dma_start3A, %dma_start3A_35] : memref<2x8192xf32, #tpu.memory_space<vmem>> -> memref<1x8192xf32, #tpu.memory_space<vmem>>
    %dma_start3A_37 = tpu.memref_squeeze %dma_start3A_36 : memref<1x8192xf32, #tpu.memory_space<vmem>> -> memref<8192xf32, #tpu.memory_space<vmem>>
    %dma_start3A_38 = tpu.memref_slice %arg2[%select_n3A, %select_n3A_34] : memref<128x32768xf32, #tpu.memory_space<hbm>> -> memref<1x8192xf32, #tpu.memory_space<hbm>>
    %dma_start3A_39 = tpu.memref_squeeze %dma_start3A_38 : memref<1x8192xf32, #tpu.memory_space<hbm>> -> memref<8192xf32, #tpu.memory_space<hbm>>
    %dma_start3A_40 = arith.constant 0 : i32
    %dma_start3A_41 = tpu.memref_slice %arg5[%dma_start3A, %dma_start3A_40] : memref<2x8192xf32, #tpu.memory_space<vmem>> -> memref<1x8192xf32, #tpu.memory_space<vmem>>
    %dma_start3A_42 = tpu.memref_squeeze %dma_start3A_41 : memref<1x8192xf32, #tpu.memory_space<vmem>> -> memref<8192xf32, #tpu.memory_space<vmem>>
    %dma_start3A_43 = tpu.memref_slice %arg2[%select_n3A, %select_n3A_34] : memref<128x32768xf32, #tpu.memory_space<hbm>> -> memref<1x8192xf32, #tpu.memory_space<hbm>>
    %dma_start3A_44 = tpu.memref_squeeze %dma_start3A_43 : memref<1x8192xf32, #tpu.memory_space<hbm>> -> memref<8192xf32, #tpu.memory_space<hbm>>
    tpu.enqueue_dma source(%dma_start3A_44 : memref<8192xf32, #tpu.memory_space<hbm>>) target(%dma_start3A_42 : memref<8192xf32, #tpu.memory_space<vmem>>) target_semaphore(%arg8 : memref<!tpu.dma_semaphore, #tpu.memory_space<semaphore_mem>>)
    %broadcast_in_dim3A = arith.constant 0xFF800000 : f32
    %broadcast_in_dim3A_45 = vector.broadcast %broadcast_in_dim3A : f32 to vector<16xf32>
    %broadcast_in_dim3A_46 = arith.constant 0 : i32
    %broadcast_in_dim3A_47 = vector.broadcast %broadcast_in_dim3A_46 : i32 to vector<16xi32>
    %add3A_48 = arith.constant 8192 : i32
    %add3A_49 = arith.addi %mul3A_2, %add3A_48 : i32
    %jit3A_50 = arith.constant 32768 : i32
    %div3A_51 = arith.divsi %add3A_49, %jit3A_50 : i32
    %sign3A_52 = arith.constant 0 : i32
    %sign3A_53 = arith.cmpi sgt, %add3A_49, %sign3A_52 : i32
    %sign3A_54 = arith.extui %sign3A_53 : i1 to i32
    %sign3A_55 = arith.constant 0 : i32
    %sign3A_56 = arith.cmpi slt, %add3A_49, %sign3A_55 : i32
    %sign3A_57 = arith.extui %sign3A_56 : i1 to i32
    %sign3A_58 = arith.subi %sign3A_54, %sign3A_57 : i32
    %sign3A_59 = arith.constant 0 : i32
    %sign3A_60 = arith.cmpi sgt, %jit3A_50, %sign3A_59 : i32
    %sign3A_61 = arith.extui %sign3A_60 : i1 to i32
    %sign3A_62 = arith.constant 0 : i32
    %sign3A_63 = arith.cmpi slt, %jit3A_50, %sign3A_62 : i32
    %sign3A_64 = arith.extui %sign3A_63 : i1 to i32
    %sign3A_65 = arith.subi %sign3A_61, %sign3A_64 : i32
    %ne3A_66 = arith.cmpi ne, %sign3A_58, %sign3A_65 : i32
    %rem3A_67 = arith.remsi %add3A_49, %jit3A_50 : i32
    %ne3A_68 = arith.constant 0 : i32
    %ne3A_69 = arith.cmpi ne, %rem3A_67, %ne3A_68 : i32
    %and3A_70 = arith.andi %ne3A_66, %ne3A_69 : i1
    %sub3A_71 = arith.constant 1 : i32
    %sub3A_72 = arith.subi %div3A_51, %sub3A_71 : i32
    %select_n3A_73 = arith.select %and3A_70, %sub3A_72, %div3A_51 : i32
    %jit3A_74 = arith.constant 32768 : i32
    %eq3A_75 = arith.constant 0 : i32
    %eq3A_76 = arith.cmpi eq, %jit3A_74, %eq3A_75 : i32
    %jit3A_77 = arith.constant 1 : i32
    %select_n3A_78 = arith.select %eq3A_76, %jit3A_77, %jit3A_74 : i32
    %rem3A_79 = arith.remsi %add3A_49, %select_n3A_78 : i32
    %ne3A_80 = arith.constant 0 : i32
    %ne3A_81 = arith.cmpi ne, %rem3A_79, %ne3A_80 : i32
    %lt3A_82 = arith.constant 0 : i32
    %lt3A_83 = arith.cmpi slt, %rem3A_79, %lt3A_82 : i32
    %lt3A_84 = arith.constant 0 : i32
    %lt3A_85 = arith.cmpi slt, %select_n3A_78, %lt3A_84 : i32
    %ne3A_86 = arith.xori %lt3A_83, %lt3A_85 : i1
    %and3A_87 = arith.andi %ne3A_86, %ne3A_81 : i1
    %add3A_88 = arith.addi %rem3A_79, %select_n3A_78 : i32
    %select_n3A_89 = arith.select %and3A_87, %add3A_88, %rem3A_79 : i32
    %dma_start3A_90 = arith.constant 1 : i32
    %dma_start3A_91 = arith.constant 0 : i32
    %dma_start3A_92 = tpu.memref_slice %arg5[%dma_start3A_90, %dma_start3A_91] : memref<2x8192xf32, #tpu.memory_space<vmem>> -> memref<1x8192xf32, #tpu.memory_space<vmem>>
    %dma_start3A_93 = tpu.memref_squeeze %dma_start3A_92 : memref<1x8192xf32, #tpu.memory_space<vmem>> -> memref<8192xf32, #tpu.memory_space<vmem>>
    %dma_start3A_94 = tpu.memref_slice %arg2[%select_n3A_73, %select_n3A_89] : memref<128x32768xf32, #tpu.memory_space<hbm>> -> memref<1x8192xf32, #tpu.memory_space<hbm>>
    %dma_start3A_95 = tpu.memref_squeeze %dma_start3A_94 : memref<1x8192xf32, #tpu.memory_space<hbm>> -> memref<8192xf32, #tpu.memory_space<hbm>>
    %dma_start3A_96 = arith.constant 0 : i32
    %dma_start3A_97 = tpu.memref_slice %arg5[%dma_start3A_90, %dma_start3A_96] : memref<2x8192xf32, #tpu.memory_space<vmem>> -> memref<1x8192xf32, #tpu.memory_space<vmem>>
    %dma_start3A_98 = tpu.memref_squeeze %dma_start3A_97 : memref<1x8192xf32, #tpu.memory_space<vmem>> -> memref<8192xf32, #tpu.memory_space<vmem>>
    %dma_start3A_99 = tpu.memref_slice %arg2[%select_n3A_73, %select_n3A_89] : memref<128x32768xf32, #tpu.memory_space<hbm>> -> memref<1x8192xf32, #tpu.memory_space<hbm>>
    %dma_start3A_100 = tpu.memref_squeeze %dma_start3A_99 : memref<1x8192xf32, #tpu.memory_space<hbm>> -> memref<8192xf32, #tpu.memory_space<hbm>>
    tpu.enqueue_dma source(%dma_start3A_100 : memref<8192xf32, #tpu.memory_space<hbm>>) target(%dma_start3A_98 : memref<8192xf32, #tpu.memory_space<vmem>>) target_semaphore(%arg9 : memref<!tpu.dma_semaphore, #tpu.memory_space<semaphore_mem>>)
    %dma_wait3A = arith.constant 0 : i32
    %dma_wait3A_101 = arith.constant 0 : i32
    %dma_wait3A_102 = tpu.memref_slice %arg5[%dma_wait3A, %dma_wait3A_101] : memref<2x8192xf32, #tpu.memory_space<vmem>> -> memref<1x8192xf32, #tpu.memory_space<vmem>>
    %dma_wait3A_103 = tpu.memref_squeeze %dma_wait3A_102 : memref<1x8192xf32, #tpu.memory_space<vmem>> -> memref<8192xf32, #tpu.memory_space<vmem>>
    %dma_wait3A_104 = tpu.memref_slice %arg2[%select_n3A, %select_n3A_34] : memref<128x32768xf32, #tpu.memory_space<hbm>> -> memref<1x8192xf32, #tpu.memory_space<hbm>>
    %dma_wait3A_105 = tpu.memref_squeeze %dma_wait3A_104 : memref<1x8192xf32, #tpu.memory_space<hbm>> -> memref<8192xf32, #tpu.memory_space<hbm>>
    %dma_wait3A_106 = arith.constant 0 : i32
    %dma_wait3A_107 = tpu.memref_slice %arg5[%dma_wait3A, %dma_wait3A_106] : memref<2x8192xf32, #tpu.memory_space<vmem>> -> memref<1x8192xf32, #tpu.memory_space<vmem>>
    %dma_wait3A_108 = tpu.memref_squeeze %dma_wait3A_107 : memref<1x8192xf32, #tpu.memory_space<vmem>> -> memref<8192xf32, #tpu.memory_space<vmem>>
    %dma_wait3A_109 = tpu.memref_slice %arg2[%select_n3A, %select_n3A_34] : memref<128x32768xf32, #tpu.memory_space<hbm>> -> memref<1x8192xf32, #tpu.memory_space<hbm>>
    %dma_wait3A_110 = tpu.memref_squeeze %dma_wait3A_109 : memref<1x8192xf32, #tpu.memory_space<hbm>> -> memref<8192xf32, #tpu.memory_space<hbm>>
    tpu.wait_dma2 semaphore(%arg8 : memref<!tpu.dma_semaphore, #tpu.memory_space<semaphore_mem>>) src(%dma_wait3A_110 : memref<8192xf32, #tpu.memory_space<hbm>>) dst(%dma_wait3A_108 : memref<8192xf32, #tpu.memory_space<vmem>>)
    %broadcast_in_dim3A_111 = arith.constant 0xFF800000 : f32
    %broadcast_in_dim3A_112 = vector.broadcast %broadcast_in_dim3A_111 : f32 to vector<16xf32>
    %broadcast_in_dim3A_113 = arith.constant 0xFF800000 : f32
    %broadcast_in_dim3A_114 = vector.broadcast %broadcast_in_dim3A_113 : f32 to vector<16xf32>
    %broadcast_in_dim3A_115 = arith.constant 0xFF800000 : f32
    %broadcast_in_dim3A_116 = vector.broadcast %broadcast_in_dim3A_115 : f32 to vector<16xf32>
    %broadcast_in_dim3A_117 = arith.constant 0xFF800000 : f32
    %broadcast_in_dim3A_118 = vector.broadcast %broadcast_in_dim3A_117 : f32 to vector<16xf32>
    %broadcast_in_dim3A_119 = arith.constant 0xFF800000 : f32
    %broadcast_in_dim3A_120 = vector.broadcast %broadcast_in_dim3A_119 : f32 to vector<16xf32>
    %broadcast_in_dim3A_121 = arith.constant 0xFF800000 : f32
    %broadcast_in_dim3A_122 = vector.broadcast %broadcast_in_dim3A_121 : f32 to vector<16xf32>
    %broadcast_in_dim3A_123 = arith.constant 0xFF800000 : f32
    %broadcast_in_dim3A_124 = vector.broadcast %broadcast_in_dim3A_123 : f32 to vector<16xf32>
    %broadcast_in_dim3A_125 = arith.constant 0xFF800000 : f32
    %broadcast_in_dim3A_126 = vector.broadcast %broadcast_in_dim3A_125 : f32 to vector<16xf32>
    %scan3A = arith.constant 0 : i32
    %scan3A_127 = arith.constant 0 : i32
    %scan3A_128 = arith.constant 32 : i32
    %scan3A_129 = arith.addi %scan3A_127, %scan3A_128 : i32
    %scan3A_130 = arith.constant 1 : i32
    %scan3A_131:8 = scf.for %scan3A_508 = %scan3A_127 to %scan3A_129 step %scan3A_130 iter_args(%scan3A_509 = %broadcast_in_dim3A_112, %scan3A_510 = %broadcast_in_dim3A_114, %scan3A_511 = %broadcast_in_dim3A_116, %scan3A_512 = %broadcast_in_dim3A_118, %scan3A_513 = %broadcast_in_dim3A_120, %scan3A_514 = %broadcast_in_dim3A_122, %scan3A_515 = %broadcast_in_dim3A_124, %scan3A_516 = %broadcast_in_dim3A_126) -> (vector<16xf32>, vector<16xf32>, vector<16xf32>, vector<16xf32>, vector<16xf32>, vector<16xf32>, vector<16xf32>, vector<16xf32>)  : i32 {
      %mul3A_517 = arith.constant 256 : i32
      %mul3A_518 = arith.muli %scan3A_508, %mul3A_517 : i32
      %add3A_519 = arith.constant 0 : i32
      %add3A_520 = arith.addi %mul3A_518, %add3A_519 : i32
      %get3A = arith.constant 0 : i32
      %get3A_521 = tpu.memref_slice %arg5[%scan3A, %get3A] : memref<2x8192xf32, #tpu.memory_space<vmem>> -> memref<1x8192xf32, #tpu.memory_space<vmem>>
      %get3A_522 = tpu.memref_squeeze %get3A_521 : memref<1x8192xf32, #tpu.memory_space<vmem>> -> memref<8192xf32, #tpu.memory_space<vmem>>
      %get3A_523 = arith.index_cast %add3A_520 : i32 to index
      %get3A_524 = tpu.vector_load %get3A_522[%get3A_523] {strides = array<i32>} : memref<8192xf32, #tpu.memory_space<vmem>>, vector<16xf32>,
      %get3A_525 = vector.shape_cast %get3A_524 : vector<16xf32> to vector<16xf32>
      %max3A_526 = arith.maximumf %scan3A_509, %get3A_525 : vector<16xf32>
      %add3A_527 = arith.constant 16 : i32
      %add3A_528 = arith.addi %mul3A_518, %add3A_527 : i32
      %get3A_529 = arith.constant 0 : i32
      %get3A_530 = tpu.memref_slice %arg5[%scan3A, %get3A_529] : memref<2x8192xf32, #tpu.memory_space<vmem>> -> memref<1x8192xf32, #tpu.memory_space<vmem>>
      %get3A_531 = tpu.memref_squeeze %get3A_530 : memref<1x8192xf32, #tpu.memory_space<vmem>> -> memref<8192xf32, #tpu.memory_space<vmem>>
      %get3A_532 = arith.index_cast %add3A_528 : i32 to index
      %get3A_533 = tpu.vector_load %get3A_531[%get3A_532] {strides = array<i32>} : memref<8192xf32, #tpu.memory_space<vmem>>, vector<16xf32>,
      %get3A_534 = vector.shape_cast %get3A_533 : vector<16xf32> to vector<16xf32>
      %max3A_535 = arith.maximumf %scan3A_510, %get3A_534 : vector<16xf32>
      %add3A_536 = arith.constant 32 : i32
      %add3A_537 = arith.addi %mul3A_518, %add3A_536 : i32
      %get3A_538 = arith.constant 0 : i32
      %get3A_539 = tpu.memref_slice %arg5[%scan3A, %get3A_538] : memref<2x8192xf32, #tpu.memory_space<vmem>> -> memref<1x8192xf32, #tpu.memory_space<vmem>>
      %get3A_540 = tpu.memref_squeeze %get3A_539 : memref<1x8192xf32, #tpu.memory_space<vmem>> -> memref<8192xf32, #tpu.memory_space<vmem>>
      %get3A_541 = arith.index_cast %add3A_537 : i32 to index
      %get3A_542 = tpu.vector_load %get3A_540[%get3A_541] {strides = array<i32>} : memref<8192xf32, #tpu.memory_space<vmem>>, vector<16xf32>,
      %get3A_543 = vector.shape_cast %get3A_542 : vector<16xf32> to vector<16xf32>
      %max3A_544 = arith.maximumf %scan3A_511, %get3A_543 : vector<16xf32>
      %add3A_545 = arith.constant 48 : i32
      %add3A_546 = arith.addi %mul3A_518, %add3A_545 : i32
      %get3A_547 = arith.constant 0 : i32
      %get3A_548 = tpu.memref_slice %arg5[%scan3A, %get3A_547] : memref<2x8192xf32, #tpu.memory_space<vmem>> -> memref<1x8192xf32, #tpu.memory_space<vmem>>
      %get3A_549 = tpu.memref_squeeze %get3A_548 : memref<1x8192xf32, #tpu.memory_space<vmem>> -> memref<8192xf32, #tpu.memory_space<vmem>>
      %get3A_550 = arith.index_cast %add3A_546 : i32 to index
      %get3A_551 = tpu.vector_load %get3A_549[%get3A_550] {strides = array<i32>} : memref<8192xf32, #tpu.memory_space<vmem>>, vector<16xf32>,
      %get3A_552 = vector.shape_cast %get3A_551 : vector<16xf32> to vector<16xf32>
      %max3A_553 = arith.maximumf %scan3A_512, %get3A_552 : vector<16xf32>
      %add3A_554 = arith.constant 64 : i32
      %add3A_555 = arith.addi %mul3A_518, %add3A_554 : i32
      %get3A_556 = arith.constant 0 : i32
      %get3A_557 = tpu.memref_slice %arg5[%scan3A, %get3A_556] : memref<2x8192xf32, #tpu.memory_space<vmem>> -> memref<1x8192xf32, #tpu.memory_space<vmem>>
      %get3A_558 = tpu.memref_squeeze %get3A_557 : memref<1x8192xf32, #tpu.memory_space<vmem>> -> memref<8192xf32, #tpu.memory_space<vmem>>
      %get3A_559 = arith.index_cast %add3A_555 : i32 to index
      %get3A_560 = tpu.vector_load %get3A_558[%get3A_559] {strides = array<i32>} : memref<8192xf32, #tpu.memory_space<vmem>>, vector<16xf32>,
      %get3A_561 = vector.shape_cast %get3A_560 : vector<16xf32> to vector<16xf32>
      %max3A_562 = arith.maximumf %scan3A_513, %get3A_561 : vector<16xf32>
      %add3A_563 = arith.constant 80 : i32
      %add3A_564 = arith.addi %mul3A_518, %add3A_563 : i32
      %get3A_565 = arith.constant 0 : i32
      %get3A_566 = tpu.memref_slice %arg5[%scan3A, %get3A_565] : memref<2x8192xf32, #tpu.memory_space<vmem>> -> memref<1x8192xf32, #tpu.memory_space<vmem>>
      %get3A_567 = tpu.memref_squeeze %get3A_566 : memref<1x8192xf32, #tpu.memory_space<vmem>> -> memref<8192xf32, #tpu.memory_space<vmem>>
      %get3A_568 = arith.index_cast %add3A_564 : i32 to index
      %get3A_569 = tpu.vector_load %get3A_567[%get3A_568] {strides = array<i32>} : memref<8192xf32, #tpu.memory_space<vmem>>, vector<16xf32>,
      %get3A_570 = vector.shape_cast %get3A_569 : vector<16xf32> to vector<16xf32>
      %max3A_571 = arith.maximumf %scan3A_514, %get3A_570 : vector<16xf32>
      %add3A_572 = arith.constant 96 : i32
      %add3A_573 = arith.addi %mul3A_518, %add3A_572 : i32
      %get3A_574 = arith.constant 0 : i32
      %get3A_575 = tpu.memref_slice %arg5[%scan3A, %get3A_574] : memref<2x8192xf32, #tpu.memory_space<vmem>> -> memref<1x8192xf32, #tpu.memory_space<vmem>>
      %get3A_576 = tpu.memref_squeeze %get3A_575 : memref<1x8192xf32, #tpu.memory_space<vmem>> -> memref<8192xf32, #tpu.memory_space<vmem>>
      %get3A_577 = arith.index_cast %add3A_573 : i32 to index
      %get3A_578 = tpu.vector_load %get3A_576[%get3A_577] {strides = array<i32>} : memref<8192xf32, #tpu.memory_space<vmem>>, vector<16xf32>,
      %get3A_579 = vector.shape_cast %get3A_578 : vector<16xf32> to vector<16xf32>
      %max3A_580 = arith.maximumf %scan3A_515, %get3A_579 : vector<16xf32>
      %add3A_581 = arith.constant 112 : i32
      %add3A_582 = arith.addi %mul3A_518, %add3A_581 : i32
      %get3A_583 = arith.constant 0 : i32
      %get3A_584 = tpu.memref_slice %arg5[%scan3A, %get3A_583] : memref<2x8192xf32, #tpu.memory_space<vmem>> -> memref<1x8192xf32, #tpu.memory_space<vmem>>
      %get3A_585 = tpu.memref_squeeze %get3A_584 : memref<1x8192xf32, #tpu.memory_space<vmem>> -> memref<8192xf32, #tpu.memory_space<vmem>>
      %get3A_586 = arith.index_cast %add3A_582 : i32 to index
      %get3A_587 = tpu.vector_load %get3A_585[%get3A_586] {strides = array<i32>} : memref<8192xf32, #tpu.memory_space<vmem>>, vector<16xf32>,
      %get3A_588 = vector.shape_cast %get3A_587 : vector<16xf32> to vector<16xf32>
      %max3A_589 = arith.maximumf %scan3A_516, %get3A_588 : vector<16xf32>
      %add3A_590 = arith.constant 128 : i32
      %add3A_591 = arith.addi %mul3A_518, %add3A_590 : i32
      %get3A_592 = arith.constant 0 : i32
      %get3A_593 = tpu.memref_slice %arg5[%scan3A, %get3A_592] : memref<2x8192xf32, #tpu.memory_space<vmem>> -> memref<1x8192xf32, #tpu.memory_space<vmem>>
      %get3A_594 = tpu.memref_squeeze %get3A_593 : memref<1x8192xf32, #tpu.memory_space<vmem>> -> memref<8192xf32, #tpu.memory_space<vmem>>
      %get3A_595 = arith.index_cast %add3A_591 : i32 to index
      %get3A_596 = tpu.vector_load %get3A_594[%get3A_595] {strides = array<i32>} : memref<8192xf32, #tpu.memory_space<vmem>>, vector<16xf32>,
      %get3A_597 = vector.shape_cast %get3A_596 : vector<16xf32> to vector<16xf32>
      %max3A_598 = arith.maximumf %max3A_526, %get3A_597 : vector<16xf32>
      %add3A_599 = arith.constant 144 : i32
      %add3A_600 = arith.addi %mul3A_518, %add3A_599 : i32
      %get3A_601 = arith.constant 0 : i32
      %get3A_602 = tpu.memref_slice %arg5[%scan3A, %get3A_601] : memref<2x8192xf32, #tpu.memory_space<vmem>> -> memref<1x8192xf32, #tpu.memory_space<vmem>>
      %get3A_603 = tpu.memref_squeeze %get3A_602 : memref<1x8192xf32, #tpu.memory_space<vmem>> -> memref<8192xf32, #tpu.memory_space<vmem>>
      %get3A_604 = arith.index_cast %add3A_600 : i32 to index
      %get3A_605 = tpu.vector_load %get3A_603[%get3A_604] {strides = array<i32>} : memref<8192xf32, #tpu.memory_space<vmem>>, vector<16xf32>,
      %get3A_606 = vector.shape_cast %get3A_605 : vector<16xf32> to vector<16xf32>
      %max3A_607 = arith.maximumf %max3A_535, %get3A_606 : vector<16xf32>
      %add3A_608 = arith.constant 160 : i32
      %add3A_609 = arith.addi %mul3A_518, %add3A_608 : i32
      %get3A_610 = arith.constant 0 : i32
      %get3A_611 = tpu.memref_slice %arg5[%scan3A, %get3A_610] : memref<2x8192xf32, #tpu.memory_space<vmem>> -> memref<1x8192xf32, #tpu.memory_space<vmem>>
      %get3A_612 = tpu.memref_squeeze %get3A_611 : memref<1x8192xf32, #tpu.memory_space<vmem>> -> memref<8192xf32, #tpu.memory_space<vmem>>
      %get3A_613 = arith.index_cast %add3A_609 : i32 to index
      %get3A_614 = tpu.vector_load %get3A_612[%get3A_613] {strides = array<i32>} : memref<8192xf32, #tpu.memory_space<vmem>>, vector<16xf32>,
      %get3A_615 = vector.shape_cast %get3A_614 : vector<16xf32> to vector<16xf32>
      %max3A_616 = arith.maximumf %max3A_544, %get3A_615 : vector<16xf32>
      %add3A_617 = arith.constant 176 : i32
      %add3A_618 = arith.addi %mul3A_518, %add3A_617 : i32
      %get3A_619 = arith.constant 0 : i32
      %get3A_620 = tpu.memref_slice %arg5[%scan3A, %get3A_619] : memref<2x8192xf32, #tpu.memory_space<vmem>> -> memref<1x8192xf32, #tpu.memory_space<vmem>>
      %get3A_621 = tpu.memref_squeeze %get3A_620 : memref<1x8192xf32, #tpu.memory_space<vmem>> -> memref<8192xf32, #tpu.memory_space<vmem>>
      %get3A_622 = arith.index_cast %add3A_618 : i32 to index
      %get3A_623 = tpu.vector_load %get3A_621[%get3A_622] {strides = array<i32>} : memref<8192xf32, #tpu.memory_space<vmem>>, vector<16xf32>,
      %get3A_624 = vector.shape_cast %get3A_623 : vector<16xf32> to vector<16xf32>
      %max3A_625 = arith.maximumf %max3A_553, %get3A_624 : vector<16xf32>
      %add3A_626 = arith.constant 192 : i32
      %add3A_627 = arith.addi %mul3A_518, %add3A_626 : i32
      %get3A_628 = arith.constant 0 : i32
      %get3A_629 = tpu.memref_slice %arg5[%scan3A, %get3A_628] : memref<2x8192xf32, #tpu.memory_space<vmem>> -> memref<1x8192xf32, #tpu.memory_space<vmem>>
      %get3A_630 = tpu.memref_squeeze %get3A_629 : memref<1x8192xf32, #tpu.memory_space<vmem>> -> memref<8192xf32, #tpu.memory_space<vmem>>
      %get3A_631 = arith.index_cast %add3A_627 : i32 to index
      %get3A_632 = tpu.vector_load %get3A_630[%get3A_631] {strides = array<i32>} : memref<8192xf32, #tpu.memory_space<vmem>>, vector<16xf32>,
      %get3A_633 = vector.shape_cast %get3A_632 : vector<16xf32> to vector<16xf32>
      %max3A_634 = arith.maximumf %max3A_562, %get3A_633 : vector<16xf32>
      %add3A_635 = arith.constant 208 : i32
      %add3A_636 = arith.addi %mul3A_518, %add3A_635 : i32
      %get3A_637 = arith.constant 0 : i32
      %get3A_638 = tpu.memref_slice %arg5[%scan3A, %get3A_637] : memref<2x8192xf32, #tpu.memory_space<vmem>> -> memref<1x8192xf32, #tpu.memory_space<vmem>>
      %get3A_639 = tpu.memref_squeeze %get3A_638 : memref<1x8192xf32, #tpu.memory_space<vmem>> -> memref<8192xf32, #tpu.memory_space<vmem>>
      %get3A_640 = arith.index_cast %add3A_636 : i32 to index
      %get3A_641 = tpu.vector_load %get3A_639[%get3A_640] {strides = array<i32>} : memref<8192xf32, #tpu.memory_space<vmem>>, vector<16xf32>,
      %get3A_642 = vector.shape_cast %get3A_641 : vector<16xf32> to vector<16xf32>
      %max3A_643 = arith.maximumf %max3A_571, %get3A_642 : vector<16xf32>
      %add3A_644 = arith.constant 224 : i32
      %add3A_645 = arith.addi %mul3A_518, %add3A_644 : i32
      %get3A_646 = arith.constant 0 : i32
      %get3A_647 = tpu.memref_slice %arg5[%scan3A, %get3A_646] : memref<2x8192xf32, #tpu.memory_space<vmem>> -> memref<1x8192xf32, #tpu.memory_space<vmem>>
      %get3A_648 = tpu.memref_squeeze %get3A_647 : memref<1x8192xf32, #tpu.memory_space<vmem>> -> memref<8192xf32, #tpu.memory_space<vmem>>
      %get3A_649 = arith.index_cast %add3A_645 : i32 to index
      %get3A_650 = tpu.vector_load %get3A_648[%get3A_649] {strides = array<i32>} : memref<8192xf32, #tpu.memory_space<vmem>>, vector<16xf32>,
      %get3A_651 = vector.shape_cast %get3A_650 : vector<16xf32> to vector<16xf32>
      %max3A_652 = arith.maximumf %max3A_580, %get3A_651 : vector<16xf32>
      %add3A_653 = arith.constant 240 : i32
      %add3A_654 = arith.addi %mul3A_518, %add3A_653 : i32
      %get3A_655 = arith.constant 0 : i32
      %get3A_656 = tpu.memref_slice %arg5[%scan3A, %get3A_655] : memref<2x8192xf32, #tpu.memory_space<vmem>> -> memref<1x8192xf32, #tpu.memory_space<vmem>>
      %get3A_657 = tpu.memref_squeeze %get3A_656 : memref<1x8192xf32, #tpu.memory_space<vmem>> -> memref<8192xf32, #tpu.memory_space<vmem>>
      %get3A_658 = arith.index_cast %add3A_654 : i32 to index
      %get3A_659 = tpu.vector_load %get3A_657[%get3A_658] {strides = array<i32>} : memref<8192xf32, #tpu.memory_space<vmem>>, vector<16xf32>,
      %get3A_660 = vector.shape_cast %get3A_659 : vector<16xf32> to vector<16xf32>
      %max3A_661 = arith.maximumf %max3A_589, %get3A_660 : vector<16xf32>
      scf.yield %max3A_598, %max3A_607, %max3A_616, %max3A_625, %max3A_634, %max3A_643, %max3A_652, %max3A_661 : vector<16xf32>, vector<16xf32>, vector<16xf32>, vector<16xf32>, vector<16xf32>, vector<16xf32>, vector<16xf32>, vector<16xf32>
    }
    %scan3A_132 = arith.constant 32 : i32
    %max3A = arith.maximumf %scan3A_131#0, %scan3A_131#1 : vector<16xf32>
    %max3A_133 = arith.maximumf %max3A, %scan3A_131#2 : vector<16xf32>
    %max3A_134 = arith.maximumf %max3A_133, %scan3A_131#3 : vector<16xf32>
    %max3A_135 = arith.maximumf %max3A_134, %scan3A_131#4 : vector<16xf32>
    %max3A_136 = arith.maximumf %max3A_135, %scan3A_131#5 : vector<16xf32>
    %max3A_137 = arith.maximumf %max3A_136, %scan3A_131#6 : vector<16xf32>
    %max3A_138 = arith.maximumf %max3A_137, %scan3A_131#7 : vector<16xf32>
    %gt3A = arith.cmpf ogt, %max3A_138, %broadcast_in_dim3A_45 : vector<16xf32>
    %select_n3A_139 = arith.select %gt3A, %max3A_138, %broadcast_in_dim3A_45 : vector<16xi1>, vector<16xf32>
    %broadcast_in_dim3A_140 = arith.constant 0 : i32
    %broadcast_in_dim3A_141 = vector.broadcast %broadcast_in_dim3A_140 : i32 to vector<16xi32>
    %select_n3A_142 = arith.select %gt3A, %broadcast_in_dim3A_141, %broadcast_in_dim3A_47 : vector<16xi1>, vector<16xi32>
    %dma_wait3A_143 = arith.constant 1 : i32
    %dma_wait3A_144 = arith.constant 0 : i32
    %dma_wait3A_145 = tpu.memref_slice %arg5[%dma_wait3A_143, %dma_wait3A_144] : memref<2x8192xf32, #tpu.memory_space<vmem>> -> memref<1x8192xf32, #tpu.memory_space<vmem>>
    %dma_wait3A_146 = tpu.memref_squeeze %dma_wait3A_145 : memref<1x8192xf32, #tpu.memory_space<vmem>> -> memref<8192xf32, #tpu.memory_space<vmem>>
    %dma_wait3A_147 = tpu.memref_slice %arg2[%select_n3A_73, %select_n3A_89] : memref<128x32768xf32, #tpu.memory_space<hbm>> -> memref<1x8192xf32, #tpu.memory_space<hbm>>
    %dma_wait3A_148 = tpu.memref_squeeze %dma_wait3A_147 : memref<1x8192xf32, #tpu.memory_space<hbm>> -> memref<8192xf32, #tpu.memory_space<hbm>>
    %dma_wait3A_149 = arith.constant 0 : i32
    %dma_wait3A_150 = tpu.memref_slice %arg5[%dma_wait3A_143, %dma_wait3A_149] : memref<2x8192xf32, #tpu.memory_space<vmem>> -> memref<1x8192xf32, #tpu.memory_space<vmem>>
    %dma_wait3A_151 = tpu.memref_squeeze %dma_wait3A_150 : memref<1x8192xf32, #tpu.memory_space<vmem>> -> memref<8192xf32, #tpu.memory_space<vmem>>
    %dma_wait3A_152 = tpu.memref_slice %arg2[%select_n3A_73, %select_n3A_89] : memref<128x32768xf32, #tpu.memory_space<hbm>> -> memref<1x8192xf32, #tpu.memory_space<hbm>>
    %dma_wait3A_153 = tpu.memref_squeeze %dma_wait3A_152 : memref<1x8192xf32, #tpu.memory_space<hbm>> -> memref<8192xf32, #tpu.memory_space<hbm>>
    tpu.wait_dma2 semaphore(%arg9 : memref<!tpu.dma_semaphore, #tpu.memory_space<semaphore_mem>>) src(%dma_wait3A_153 : memref<8192xf32, #tpu.memory_space<hbm>>) dst(%dma_wait3A_151 : memref<8192xf32, #tpu.memory_space<vmem>>)
    %broadcast_in_dim3A_154 = arith.constant 0xFF800000 : f32
    %broadcast_in_dim3A_155 = vector.broadcast %broadcast_in_dim3A_154 : f32 to vector<16xf32>
    %broadcast_in_dim3A_156 = arith.constant 0xFF800000 : f32
    %broadcast_in_dim3A_157 = vector.broadcast %broadcast_in_dim3A_156 : f32 to vector<16xf32>
    %broadcast_in_dim3A_158 = arith.constant 0xFF800000 : f32
    %broadcast_in_dim3A_159 = vector.broadcast %broadcast_in_dim3A_158 : f32 to vector<16xf32>
    %broadcast_in_dim3A_160 = arith.constant 0xFF800000 : f32
    %broadcast_in_dim3A_161 = vector.broadcast %broadcast_in_dim3A_160 : f32 to vector<16xf32>
    %broadcast_in_dim3A_162 = arith.constant 0xFF800000 : f32
    %broadcast_in_dim3A_163 = vector.broadcast %broadcast_in_dim3A_162 : f32 to vector<16xf32>
    %broadcast_in_dim3A_164 = arith.constant 0xFF800000 : f32
    %broadcast_in_dim3A_165 = vector.broadcast %broadcast_in_dim3A_164 : f32 to vector<16xf32>
    %broadcast_in_dim3A_166 = arith.constant 0xFF800000 : f32
    %broadcast_in_dim3A_167 = vector.broadcast %broadcast_in_dim3A_166 : f32 to vector<16xf32>
    %broadcast_in_dim3A_168 = arith.constant 0xFF800000 : f32
    %broadcast_in_dim3A_169 = vector.broadcast %broadcast_in_dim3A_168 : f32 to vector<16xf32>
    %scan3A_170 = arith.constant 1 : i32
    %scan3A_171 = arith.constant 0 : i32
    %scan3A_172 = arith.constant 32 : i32
    %scan3A_173 = arith.addi %scan3A_171, %scan3A_172 : i32
    %scan3A_174 = arith.constant 1 : i32
    %scan3A_175:8 = scf.for %scan3A_508 = %scan3A_171 to %scan3A_173 step %scan3A_174 iter_args(%scan3A_509 = %broadcast_in_dim3A_155, %scan3A_510 = %broadcast_in_dim3A_157, %scan3A_511 = %broadcast_in_dim3A_159, %scan3A_512 = %broadcast_in_dim3A_161, %scan3A_513 = %broadcast_in_dim3A_163, %scan3A_514 = %broadcast_in_dim3A_165, %scan3A_515 = %broadcast_in_dim3A_167, %scan3A_516 = %broadcast_in_dim3A_169) -> (vector<16xf32>, vector<16xf32>, vector<16xf32>, vector<16xf32>, vector<16xf32>, vector<16xf32>, vector<16xf32>, vector<16xf32>)  : i32 {
      %mul3A_517 = arith.constant 256 : i32
      %mul3A_518 = arith.muli %scan3A_508, %mul3A_517 : i32
      %add3A_519 = arith.constant 0 : i32
      %add3A_520 = arith.addi %mul3A_518, %add3A_519 : i32
      %get3A = arith.constant 0 : i32
      %get3A_521 = tpu.memref_slice %arg5[%scan3A_170, %get3A] : memref<2x8192xf32, #tpu.memory_space<vmem>> -> memref<1x8192xf32, #tpu.memory_space<vmem>>
      %get3A_522 = tpu.memref_squeeze %get3A_521 : memref<1x8192xf32, #tpu.memory_space<vmem>> -> memref<8192xf32, #tpu.memory_space<vmem>>
      %get3A_523 = arith.index_cast %add3A_520 : i32 to index
      %get3A_524 = tpu.vector_load %get3A_522[%get3A_523] {strides = array<i32>} : memref<8192xf32, #tpu.memory_space<vmem>>, vector<16xf32>,
      %get3A_525 = vector.shape_cast %get3A_524 : vector<16xf32> to vector<16xf32>
      %max3A_526 = arith.maximumf %scan3A_509, %get3A_525 : vector<16xf32>
      %add3A_527 = arith.constant 16 : i32
      %add3A_528 = arith.addi %mul3A_518, %add3A_527 : i32
      %get3A_529 = arith.constant 0 : i32
      %get3A_530 = tpu.memref_slice %arg5[%scan3A_170, %get3A_529] : memref<2x8192xf32, #tpu.memory_space<vmem>> -> memref<1x8192xf32, #tpu.memory_space<vmem>>
      %get3A_531 = tpu.memref_squeeze %get3A_530 : memref<1x8192xf32, #tpu.memory_space<vmem>> -> memref<8192xf32, #tpu.memory_space<vmem>>
      %get3A_532 = arith.index_cast %add3A_528 : i32 to index
      %get3A_533 = tpu.vector_load %get3A_531[%get3A_532] {strides = array<i32>} : memref<8192xf32, #tpu.memory_space<vmem>>, vector<16xf32>,
      %get3A_534 = vector.shape_cast %get3A_533 : vector<16xf32> to vector<16xf32>
      %max3A_535 = arith.maximumf %scan3A_510, %get3A_534 : vector<16xf32>
      %add3A_536 = arith.constant 32 : i32
      %add3A_537 = arith.addi %mul3A_518, %add3A_536 : i32
      %get3A_538 = arith.constant 0 : i32
      %get3A_539 = tpu.memref_slice %arg5[%scan3A_170, %get3A_538] : memref<2x8192xf32, #tpu.memory_space<vmem>> -> memref<1x8192xf32, #tpu.memory_space<vmem>>
      %get3A_540 = tpu.memref_squeeze %get3A_539 : memref<1x8192xf32, #tpu.memory_space<vmem>> -> memref<8192xf32, #tpu.memory_space<vmem>>
      %get3A_541 = arith.index_cast %add3A_537 : i32 to index
      %get3A_542 = tpu.vector_load %get3A_540[%get3A_541] {strides = array<i32>} : memref<8192xf32, #tpu.memory_space<vmem>>, vector<16xf32>,
      %get3A_543 = vector.shape_cast %get3A_542 : vector<16xf32> to vector<16xf32>
      %max3A_544 = arith.maximumf %scan3A_511, %get3A_543 : vector<16xf32>
      %add3A_545 = arith.constant 48 : i32
      %add3A_546 = arith.addi %mul3A_518, %add3A_545 : i32
      %get3A_547 = arith.constant 0 : i32
      %get3A_548 = tpu.memref_slice %arg5[%scan3A_170, %get3A_547] : memref<2x8192xf32, #tpu.memory_space<vmem>> -> memref<1x8192xf32, #tpu.memory_space<vmem>>
      %get3A_549 = tpu.memref_squeeze %get3A_548 : memref<1x8192xf32, #tpu.memory_space<vmem>> -> memref<8192xf32, #tpu.memory_space<vmem>>
      %get3A_550 = arith.index_cast %add3A_546 : i32 to index
      %get3A_551 = tpu.vector_load %get3A_549[%get3A_550] {strides = array<i32>} : memref<8192xf32, #tpu.memory_space<vmem>>, vector<16xf32>,
      %get3A_552 = vector.shape_cast %get3A_551 : vector<16xf32> to vector<16xf32>
      %max3A_553 = arith.maximumf %scan3A_512, %get3A_552 : vector<16xf32>
      %add3A_554 = arith.constant 64 : i32
      %add3A_555 = arith.addi %mul3A_518, %add3A_554 : i32
      %get3A_556 = arith.constant 0 : i32
      %get3A_557 = tpu.memref_slice %arg5[%scan3A_170, %get3A_556] : memref<2x8192xf32, #tpu.memory_space<vmem>> -> memref<1x8192xf32, #tpu.memory_space<vmem>>
      %get3A_558 = tpu.memref_squeeze %get3A_557 : memref<1x8192xf32, #tpu.memory_space<vmem>> -> memref<8192xf32, #tpu.memory_space<vmem>>
      %get3A_559 = arith.index_cast %add3A_555 : i32 to index
      %get3A_560 = tpu.vector_load %get3A_558[%get3A_559] {strides = array<i32>} : memref<8192xf32, #tpu.memory_space<vmem>>, vector<16xf32>,
      %get3A_561 = vector.shape_cast %get3A_560 : vector<16xf32> to vector<16xf32>
      %max3A_562 = arith.maximumf %scan3A_513, %get3A_561 : vector<16xf32>
      %add3A_563 = arith.constant 80 : i32
      %add3A_564 = arith.addi %mul3A_518, %add3A_563 : i32
      %get3A_565 = arith.constant 0 : i32
      %get3A_566 = tpu.memref_slice %arg5[%scan3A_170, %get3A_565] : memref<2x8192xf32, #tpu.memory_space<vmem>> -> memref<1x8192xf32, #tpu.memory_space<vmem>>
      %get3A_567 = tpu.memref_squeeze %get3A_566 : memref<1x8192xf32, #tpu.memory_space<vmem>> -> memref<8192xf32, #tpu.memory_space<vmem>>
      %get3A_568 = arith.index_cast %add3A_564 : i32 to index
      %get3A_569 = tpu.vector_load %get3A_567[%get3A_568] {strides = array<i32>} : memref<8192xf32, #tpu.memory_space<vmem>>, vector<16xf32>,
      %get3A_570 = vector.shape_cast %get3A_569 : vector<16xf32> to vector<16xf32>
      %max3A_571 = arith.maximumf %scan3A_514, %get3A_570 : vector<16xf32>
      %add3A_572 = arith.constant 96 : i32
      %add3A_573 = arith.addi %mul3A_518, %add3A_572 : i32
      %get3A_574 = arith.constant 0 : i32
      %get3A_575 = tpu.memref_slice %arg5[%scan3A_170, %get3A_574] : memref<2x8192xf32, #tpu.memory_space<vmem>> -> memref<1x8192xf32, #tpu.memory_space<vmem>>
      %get3A_576 = tpu.memref_squeeze %get3A_575 : memref<1x8192xf32, #tpu.memory_space<vmem>> -> memref<8192xf32, #tpu.memory_space<vmem>>
      %get3A_577 = arith.index_cast %add3A_573 : i32 to index
      %get3A_578 = tpu.vector_load %get3A_576[%get3A_577] {strides = array<i32>} : memref<8192xf32, #tpu.memory_space<vmem>>, vector<16xf32>,
      %get3A_579 = vector.shape_cast %get3A_578 : vector<16xf32> to vector<16xf32>
      %max3A_580 = arith.maximumf %scan3A_515, %get3A_579 : vector<16xf32>
      %add3A_581 = arith.constant 112 : i32
      %add3A_582 = arith.addi %mul3A_518, %add3A_581 : i32
      %get3A_583 = arith.constant 0 : i32
      %get3A_584 = tpu.memref_slice %arg5[%scan3A_170, %get3A_583] : memref<2x8192xf32, #tpu.memory_space<vmem>> -> memref<1x8192xf32, #tpu.memory_space<vmem>>
      %get3A_585 = tpu.memref_squeeze %get3A_584 : memref<1x8192xf32, #tpu.memory_space<vmem>> -> memref<8192xf32, #tpu.memory_space<vmem>>
      %get3A_586 = arith.index_cast %add3A_582 : i32 to index
      %get3A_587 = tpu.vector_load %get3A_585[%get3A_586] {strides = array<i32>} : memref<8192xf32, #tpu.memory_space<vmem>>, vector<16xf32>,
      %get3A_588 = vector.shape_cast %get3A_587 : vector<16xf32> to vector<16xf32>
      %max3A_589 = arith.maximumf %scan3A_516, %get3A_588 : vector<16xf32>
      %add3A_590 = arith.constant 128 : i32
      %add3A_591 = arith.addi %mul3A_518, %add3A_590 : i32
      %get3A_592 = arith.constant 0 : i32
      %get3A_593 = tpu.memref_slice %arg5[%scan3A_170, %get3A_592] : memref<2x8192xf32, #tpu.memory_space<vmem>> -> memref<1x8192xf32, #tpu.memory_space<vmem>>
      %get3A_594 = tpu.memref_squeeze %get3A_593 : memref<1x8192xf32, #tpu.memory_space<vmem>> -> memref<8192xf32, #tpu.memory_space<vmem>>
      %get3A_595 = arith.index_cast %add3A_591 : i32 to index
      %get3A_596 = tpu.vector_load %get3A_594[%get3A_595] {strides = array<i32>} : memref<8192xf32, #tpu.memory_space<vmem>>, vector<16xf32>,
      %get3A_597 = vector.shape_cast %get3A_596 : vector<16xf32> to vector<16xf32>
      %max3A_598 = arith.maximumf %max3A_526, %get3A_597 : vector<16xf32>
      %add3A_599 = arith.constant 144 : i32
      %add3A_600 = arith.addi %mul3A_518, %add3A_599 : i32
      %get3A_601 = arith.constant 0 : i32
      %get3A_602 = tpu.memref_slice %arg5[%scan3A_170, %get3A_601] : memref<2x8192xf32, #tpu.memory_space<vmem>> -> memref<1x8192xf32, #tpu.memory_space<vmem>>
      %get3A_603 = tpu.memref_squeeze %get3A_602 : memref<1x8192xf32, #tpu.memory_space<vmem>> -> memref<8192xf32, #tpu.memory_space<vmem>>
      %get3A_604 = arith.index_cast %add3A_600 : i32 to index
      %get3A_605 = tpu.vector_load %get3A_603[%get3A_604] {strides = array<i32>} : memref<8192xf32, #tpu.memory_space<vmem>>, vector<16xf32>,
      %get3A_606 = vector.shape_cast %get3A_605 : vector<16xf32> to vector<16xf32>
      %max3A_607 = arith.maximumf %max3A_535, %get3A_606 : vector<16xf32>
      %add3A_608 = arith.constant 160 : i32
      %add3A_609 = arith.addi %mul3A_518, %add3A_608 : i32
      %get3A_610 = arith.constant 0 : i32
      %get3A_611 = tpu.memref_slice %arg5[%scan3A_170, %get3A_610] : memref<2x8192xf32, #tpu.memory_space<vmem>> -> memref<1x8192xf32, #tpu.memory_space<vmem>>
      %get3A_612 = tpu.memref_squeeze %get3A_611 : memref<1x8192xf32, #tpu.memory_space<vmem>> -> memref<8192xf32, #tpu.memory_space<vmem>>
      %get3A_613 = arith.index_cast %add3A_609 : i32 to index
      %get3A_614 = tpu.vector_load %get3A_612[%get3A_613] {strides = array<i32>} : memref<8192xf32, #tpu.memory_space<vmem>>, vector<16xf32>,
      %get3A_615 = vector.shape_cast %get3A_614 : vector<16xf32> to vector<16xf32>
      %max3A_616 = arith.maximumf %max3A_544, %get3A_615 : vector<16xf32>
      %add3A_617 = arith.constant 176 : i32
      %add3A_618 = arith.addi %mul3A_518, %add3A_617 : i32
      %get3A_619 = arith.constant 0 : i32
      %get3A_620 = tpu.memref_slice %arg5[%scan3A_170, %get3A_619] : memref<2x8192xf32, #tpu.memory_space<vmem>> -> memref<1x8192xf32, #tpu.memory_space<vmem>>
      %get3A_621 = tpu.memref_squeeze %get3A_620 : memref<1x8192xf32, #tpu.memory_space<vmem>> -> memref<8192xf32, #tpu.memory_space<vmem>>
      %get3A_622 = arith.index_cast %add3A_618 : i32 to index
      %get3A_623 = tpu.vector_load %get3A_621[%get3A_622] {strides = array<i32>} : memref<8192xf32, #tpu.memory_space<vmem>>, vector<16xf32>,
      %get3A_624 = vector.shape_cast %get3A_623 : vector<16xf32> to vector<16xf32>
      %max3A_625 = arith.maximumf %max3A_553, %get3A_624 : vector<16xf32>
      %add3A_626 = arith.constant 192 : i32
      %add3A_627 = arith.addi %mul3A_518, %add3A_626 : i32
      %get3A_628 = arith.constant 0 : i32
      %get3A_629 = tpu.memref_slice %arg5[%scan3A_170, %get3A_628] : memref<2x8192xf32, #tpu.memory_space<vmem>> -> memref<1x8192xf32, #tpu.memory_space<vmem>>
      %get3A_630 = tpu.memref_squeeze %get3A_629 : memref<1x8192xf32, #tpu.memory_space<vmem>> -> memref<8192xf32, #tpu.memory_space<vmem>>
      %get3A_631 = arith.index_cast %add3A_627 : i32 to index
      %get3A_632 = tpu.vector_load %get3A_630[%get3A_631] {strides = array<i32>} : memref<8192xf32, #tpu.memory_space<vmem>>, vector<16xf32>,
      %get3A_633 = vector.shape_cast %get3A_632 : vector<16xf32> to vector<16xf32>
      %max3A_634 = arith.maximumf %max3A_562, %get3A_633 : vector<16xf32>
      %add3A_635 = arith.constant 208 : i32
      %add3A_636 = arith.addi %mul3A_518, %add3A_635 : i32
      %get3A_637 = arith.constant 0 : i32
      %get3A_638 = tpu.memref_slice %arg5[%scan3A_170, %get3A_637] : memref<2x8192xf32, #tpu.memory_space<vmem>> -> memref<1x8192xf32, #tpu.memory_space<vmem>>
      %get3A_639 = tpu.memref_squeeze %get3A_638 : memref<1x8192xf32, #tpu.memory_space<vmem>> -> memref<8192xf32, #tpu.memory_space<vmem>>
      %get3A_640 = arith.index_cast %add3A_636 : i32 to index
      %get3A_641 = tpu.vector_load %get3A_639[%get3A_640] {strides = array<i32>} : memref<8192xf32, #tpu.memory_space<vmem>>, vector<16xf32>,
      %get3A_642 = vector.shape_cast %get3A_641 : vector<16xf32> to vector<16xf32>
      %max3A_643 = arith.maximumf %max3A_571, %get3A_642 : vector<16xf32>
      %add3A_644 = arith.constant 224 : i32
      %add3A_645 = arith.addi %mul3A_518, %add3A_644 : i32
      %get3A_646 = arith.constant 0 : i32
      %get3A_647 = tpu.memref_slice %arg5[%scan3A_170, %get3A_646] : memref<2x8192xf32, #tpu.memory_space<vmem>> -> memref<1x8192xf32, #tpu.memory_space<vmem>>
      %get3A_648 = tpu.memref_squeeze %get3A_647 : memref<1x8192xf32, #tpu.memory_space<vmem>> -> memref<8192xf32, #tpu.memory_space<vmem>>
      %get3A_649 = arith.index_cast %add3A_645 : i32 to index
      %get3A_650 = tpu.vector_load %get3A_648[%get3A_649] {strides = array<i32>} : memref<8192xf32, #tpu.memory_space<vmem>>, vector<16xf32>,
      %get3A_651 = vector.shape_cast %get3A_650 : vector<16xf32> to vector<16xf32>
      %max3A_652 = arith.maximumf %max3A_580, %get3A_651 : vector<16xf32>
      %add3A_653 = arith.constant 240 : i32
      %add3A_654 = arith.addi %mul3A_518, %add3A_653 : i32
      %get3A_655 = arith.constant 0 : i32
      %get3A_656 = tpu.memref_slice %arg5[%scan3A_170, %get3A_655] : memref<2x8192xf32, #tpu.memory_space<vmem>> -> memref<1x8192xf32, #tpu.memory_space<vmem>>
      %get3A_657 = tpu.memref_squeeze %get3A_656 : memref<1x8192xf32, #tpu.memory_space<vmem>> -> memref<8192xf32, #tpu.memory_space<vmem>>
      %get3A_658 = arith.index_cast %add3A_654 : i32 to index
      %get3A_659 = tpu.vector_load %get3A_657[%get3A_658] {strides = array<i32>} : memref<8192xf32, #tpu.memory_space<vmem>>, vector<16xf32>,
      %get3A_660 = vector.shape_cast %get3A_659 : vector<16xf32> to vector<16xf32>
      %max3A_661 = arith.maximumf %max3A_589, %get3A_660 : vector<16xf32>
      scf.yield %max3A_598, %max3A_607, %max3A_616, %max3A_625, %max3A_634, %max3A_643, %max3A_652, %max3A_661 : vector<16xf32>, vector<16xf32>, vector<16xf32>, vector<16xf32>, vector<16xf32>, vector<16xf32>, vector<16xf32>, vector<16xf32>
    }
    %scan3A_176 = arith.constant 32 : i32
    %max3A_177 = arith.maximumf %scan3A_175#0, %scan3A_175#1 : vector<16xf32>
    %max3A_178 = arith.maximumf %max3A_177, %scan3A_175#2 : vector<16xf32>
    %max3A_179 = arith.maximumf %max3A_178, %scan3A_175#3 : vector<16xf32>
    %max3A_180 = arith.maximumf %max3A_179, %scan3A_175#4 : vector<16xf32>
    %max3A_181 = arith.maximumf %max3A_180, %scan3A_175#5 : vector<16xf32>
    %max3A_182 = arith.maximumf %max3A_181, %scan3A_175#6 : vector<16xf32>
    %max3A_183 = arith.maximumf %max3A_182, %scan3A_175#7 : vector<16xf32>
    %gt3A_184 = arith.cmpf ogt, %max3A_183, %select_n3A_139 : vector<16xf32>
    %select_n3A_185 = arith.select %gt3A_184, %max3A_183, %select_n3A_139 : vector<16xi1>, vector<16xf32>
    %broadcast_in_dim3A_186 = arith.constant 1 : i32
    %broadcast_in_dim3A_187 = vector.broadcast %broadcast_in_dim3A_186 : i32 to vector<16xi32>
    %select_n3A_188 = arith.select %gt3A_184, %broadcast_in_dim3A_187, %select_n3A_142 : vector<16xi1>, vector<16xi32>
    %slice3A = vector.extract_strided_slice %select_n3A_185 {offsets = [0], sizes = [1], strides = [1]} : vector<16xf32> to vector<1xf32>
    %squeeze3A = vector.extract %slice3A[0] : f32 from vector<1xf32>
    %slice3A_189 = vector.extract_strided_slice %select_n3A_188 {offsets = [0], sizes = [1], strides = [1]} : vector<16xi32> to vector<1xi32>
    %squeeze3A_190 = vector.extract %slice3A_189[0] : i32 from vector<1xi32>
    %slice3A_191 = vector.extract_strided_slice %select_n3A_185 {offsets = [1], sizes = [1], strides = [1]} : vector<16xf32> to vector<1xf32>
    %squeeze3A_192 = vector.extract %slice3A_191[0] : f32 from vector<1xf32>
    %slice3A_193 = vector.extract_strided_slice %select_n3A_188 {offsets = [1], sizes = [1], strides = [1]} : vector<16xi32> to vector<1xi32>
    %squeeze3A_194 = vector.extract %slice3A_193[0] : i32 from vector<1xi32>
    %gt3A_195 = arith.cmpf ogt, %squeeze3A_192, %squeeze3A : f32
    %eq3A_196 = arith.cmpf oeq, %squeeze3A_192, %squeeze3A : f32
    %lt3A_197 = arith.cmpi slt, %squeeze3A_194, %squeeze3A_190 : i32
    %and3A_198 = arith.andi %eq3A_196, %lt3A_197 : i1
    %or3A = arith.ori %gt3A_195, %and3A_198 : i1
    %select_n3A_199 = arith.select %or3A, %squeeze3A_192, %squeeze3A : f32
    %select_n3A_200 = arith.select %or3A, %squeeze3A_194, %squeeze3A_190 : i32
    %slice3A_201 = vector.extract_strided_slice %select_n3A_185 {offsets = [2], sizes = [1], strides = [1]} : vector<16xf32> to vector<1xf32>
    %squeeze3A_202 = vector.extract %slice3A_201[0] : f32 from vector<1xf32>
    %slice3A_203 = vector.extract_strided_slice %select_n3A_188 {offsets = [2], sizes = [1], strides = [1]} : vector<16xi32> to vector<1xi32>
    %squeeze3A_204 = vector.extract %slice3A_203[0] : i32 from vector<1xi32>
    %gt3A_205 = arith.cmpf ogt, %squeeze3A_202, %select_n3A_199 : f32
    %eq3A_206 = arith.cmpf oeq, %squeeze3A_202, %select_n3A_199 : f32
    %lt3A_207 = arith.cmpi slt, %squeeze3A_204, %select_n3A_200 : i32
    %and3A_208 = arith.andi %eq3A_206, %lt3A_207 : i1
    %or3A_209 = arith.ori %gt3A_205, %and3A_208 : i1
    %select_n3A_210 = arith.select %or3A_209, %squeeze3A_202, %select_n3A_199 : f32
    %select_n3A_211 = arith.select %or3A_209, %squeeze3A_204, %select_n3A_200 : i32
    %slice3A_212 = vector.extract_strided_slice %select_n3A_185 {offsets = [3], sizes = [1], strides = [1]} : vector<16xf32> to vector<1xf32>
    %squeeze3A_213 = vector.extract %slice3A_212[0] : f32 from vector<1xf32>
    %slice3A_214 = vector.extract_strided_slice %select_n3A_188 {offsets = [3], sizes = [1], strides = [1]} : vector<16xi32> to vector<1xi32>
    %squeeze3A_215 = vector.extract %slice3A_214[0] : i32 from vector<1xi32>
    %gt3A_216 = arith.cmpf ogt, %squeeze3A_213, %select_n3A_210 : f32
    %eq3A_217 = arith.cmpf oeq, %squeeze3A_213, %select_n3A_210 : f32
    %lt3A_218 = arith.cmpi slt, %squeeze3A_215, %select_n3A_211 : i32
    %and3A_219 = arith.andi %eq3A_217, %lt3A_218 : i1
    %or3A_220 = arith.ori %gt3A_216, %and3A_219 : i1
    %select_n3A_221 = arith.select %or3A_220, %squeeze3A_213, %select_n3A_210 : f32
    %select_n3A_222 = arith.select %or3A_220, %squeeze3A_215, %select_n3A_211 : i32
    %slice3A_223 = vector.extract_strided_slice %select_n3A_185 {offsets = [4], sizes = [1], strides = [1]} : vector<16xf32> to vector<1xf32>
    %squeeze3A_224 = vector.extract %slice3A_223[0] : f32 from vector<1xf32>
    %slice3A_225 = vector.extract_strided_slice %select_n3A_188 {offsets = [4], sizes = [1], strides = [1]} : vector<16xi32> to vector<1xi32>
    %squeeze3A_226 = vector.extract %slice3A_225[0] : i32 from vector<1xi32>
    %gt3A_227 = arith.cmpf ogt, %squeeze3A_224, %select_n3A_221 : f32
    %eq3A_228 = arith.cmpf oeq, %squeeze3A_224, %select_n3A_221 : f32
    %lt3A_229 = arith.cmpi slt, %squeeze3A_226, %select_n3A_222 : i32
    %and3A_230 = arith.andi %eq3A_228, %lt3A_229 : i1
    %or3A_231 = arith.ori %gt3A_227, %and3A_230 : i1
    %select_n3A_232 = arith.select %or3A_231, %squeeze3A_224, %select_n3A_221 : f32
    %select_n3A_233 = arith.select %or3A_231, %squeeze3A_226, %select_n3A_222 : i32
    %slice3A_234 = vector.extract_strided_slice %select_n3A_185 {offsets = [5], sizes = [1], strides = [1]} : vector<16xf32> to vector<1xf32>
    %squeeze3A_235 = vector.extract %slice3A_234[0] : f32 from vector<1xf32>
    %slice3A_236 = vector.extract_strided_slice %select_n3A_188 {offsets = [5], sizes = [1], strides = [1]} : vector<16xi32> to vector<1xi32>
    %squeeze3A_237 = vector.extract %slice3A_236[0] : i32 from vector<1xi32>
    %gt3A_238 = arith.cmpf ogt, %squeeze3A_235, %select_n3A_232 : f32
    %eq3A_239 = arith.cmpf oeq, %squeeze3A_235, %select_n3A_232 : f32
    %lt3A_240 = arith.cmpi slt, %squeeze3A_237, %select_n3A_233 : i32
    %and3A_241 = arith.andi %eq3A_239, %lt3A_240 : i1
    %or3A_242 = arith.ori %gt3A_238, %and3A_241 : i1
    %select_n3A_243 = arith.select %or3A_242, %squeeze3A_235, %select_n3A_232 : f32
    %select_n3A_244 = arith.select %or3A_242, %squeeze3A_237, %select_n3A_233 : i32
    %slice3A_245 = vector.extract_strided_slice %select_n3A_185 {offsets = [6], sizes = [1], strides = [1]} : vector<16xf32> to vector<1xf32>
    %squeeze3A_246 = vector.extract %slice3A_245[0] : f32 from vector<1xf32>
    %slice3A_247 = vector.extract_strided_slice %select_n3A_188 {offsets = [6], sizes = [1], strides = [1]} : vector<16xi32> to vector<1xi32>
    %squeeze3A_248 = vector.extract %slice3A_247[0] : i32 from vector<1xi32>
    %gt3A_249 = arith.cmpf ogt, %squeeze3A_246, %select_n3A_243 : f32
    %eq3A_250 = arith.cmpf oeq, %squeeze3A_246, %select_n3A_243 : f32
    %lt3A_251 = arith.cmpi slt, %squeeze3A_248, %select_n3A_244 : i32
    %and3A_252 = arith.andi %eq3A_250, %lt3A_251 : i1
    %or3A_253 = arith.ori %gt3A_249, %and3A_252 : i1
    %select_n3A_254 = arith.select %or3A_253, %squeeze3A_246, %select_n3A_243 : f32
    %select_n3A_255 = arith.select %or3A_253, %squeeze3A_248, %select_n3A_244 : i32
    %slice3A_256 = vector.extract_strided_slice %select_n3A_185 {offsets = [7], sizes = [1], strides = [1]} : vector<16xf32> to vector<1xf32>
    %squeeze3A_257 = vector.extract %slice3A_256[0] : f32 from vector<1xf32>
    %slice3A_258 = vector.extract_strided_slice %select_n3A_188 {offsets = [7], sizes = [1], strides = [1]} : vector<16xi32> to vector<1xi32>
    %squeeze3A_259 = vector.extract %slice3A_258[0] : i32 from vector<1xi32>
    %gt3A_260 = arith.cmpf ogt, %squeeze3A_257, %select_n3A_254 : f32
    %eq3A_261 = arith.cmpf oeq, %squeeze3A_257, %select_n3A_254 : f32
    %lt3A_262 = arith.cmpi slt, %squeeze3A_259, %select_n3A_255 : i32
    %and3A_263 = arith.andi %eq3A_261, %lt3A_262 : i1
    %or3A_264 = arith.ori %gt3A_260, %and3A_263 : i1
    %select_n3A_265 = arith.select %or3A_264, %squeeze3A_257, %select_n3A_254 : f32
    %select_n3A_266 = arith.select %or3A_264, %squeeze3A_259, %select_n3A_255 : i32
    %slice3A_267 = vector.extract_strided_slice %select_n3A_185 {offsets = [8], sizes = [1], strides = [1]} : vector<16xf32> to vector<1xf32>
    %squeeze3A_268 = vector.extract %slice3A_267[0] : f32 from vector<1xf32>
    %slice3A_269 = vector.extract_strided_slice %select_n3A_188 {offsets = [8], sizes = [1], strides = [1]} : vector<16xi32> to vector<1xi32>
    %squeeze3A_270 = vector.extract %slice3A_269[0] : i32 from vector<1xi32>
    %gt3A_271 = arith.cmpf ogt, %squeeze3A_268, %select_n3A_265 : f32
    %eq3A_272 = arith.cmpf oeq, %squeeze3A_268, %select_n3A_265 : f32
    %lt3A_273 = arith.cmpi slt, %squeeze3A_270, %select_n3A_266 : i32
    %and3A_274 = arith.andi %eq3A_272, %lt3A_273 : i1
    %or3A_275 = arith.ori %gt3A_271, %and3A_274 : i1
    %select_n3A_276 = arith.select %or3A_275, %squeeze3A_268, %select_n3A_265 : f32
    %select_n3A_277 = arith.select %or3A_275, %squeeze3A_270, %select_n3A_266 : i32
    %slice3A_278 = vector.extract_strided_slice %select_n3A_185 {offsets = [9], sizes = [1], strides = [1]} : vector<16xf32> to vector<1xf32>
    %squeeze3A_279 = vector.extract %slice3A_278[0] : f32 from vector<1xf32>
    %slice3A_280 = vector.extract_strided_slice %select_n3A_188 {offsets = [9], sizes = [1], strides = [1]} : vector<16xi32> to vector<1xi32>
    %squeeze3A_281 = vector.extract %slice3A_280[0] : i32 from vector<1xi32>
    %gt3A_282 = arith.cmpf ogt, %squeeze3A_279, %select_n3A_276 : f32
    %eq3A_283 = arith.cmpf oeq, %squeeze3A_279, %select_n3A_276 : f32
    %lt3A_284 = arith.cmpi slt, %squeeze3A_281, %select_n3A_277 : i32
    %and3A_285 = arith.andi %eq3A_283, %lt3A_284 : i1
    %or3A_286 = arith.ori %gt3A_282, %and3A_285 : i1
    %select_n3A_287 = arith.select %or3A_286, %squeeze3A_279, %select_n3A_276 : f32
    %select_n3A_288 = arith.select %or3A_286, %squeeze3A_281, %select_n3A_277 : i32
    %slice3A_289 = vector.extract_strided_slice %select_n3A_185 {offsets = [10], sizes = [1], strides = [1]} : vector<16xf32> to vector<1xf32>
    %squeeze3A_290 = vector.extract %slice3A_289[0] : f32 from vector<1xf32>
    %slice3A_291 = vector.extract_strided_slice %select_n3A_188 {offsets = [10], sizes = [1], strides = [1]} : vector<16xi32> to vector<1xi32>
    %squeeze3A_292 = vector.extract %slice3A_291[0] : i32 from vector<1xi32>
    %gt3A_293 = arith.cmpf ogt, %squeeze3A_290, %select_n3A_287 : f32
    %eq3A_294 = arith.cmpf oeq, %squeeze3A_290, %select_n3A_287 : f32
    %lt3A_295 = arith.cmpi slt, %squeeze3A_292, %select_n3A_288 : i32
    %and3A_296 = arith.andi %eq3A_294, %lt3A_295 : i1
    %or3A_297 = arith.ori %gt3A_293, %and3A_296 : i1
    %select_n3A_298 = arith.select %or3A_297, %squeeze3A_290, %select_n3A_287 : f32
    %select_n3A_299 = arith.select %or3A_297, %squeeze3A_292, %select_n3A_288 : i32
    %slice3A_300 = vector.extract_strided_slice %select_n3A_185 {offsets = [11], sizes = [1], strides = [1]} : vector<16xf32> to vector<1xf32>
    %squeeze3A_301 = vector.extract %slice3A_300[0] : f32 from vector<1xf32>
    %slice3A_302 = vector.extract_strided_slice %select_n3A_188 {offsets = [11], sizes = [1], strides = [1]} : vector<16xi32> to vector<1xi32>
    %squeeze3A_303 = vector.extract %slice3A_302[0] : i32 from vector<1xi32>
    %gt3A_304 = arith.cmpf ogt, %squeeze3A_301, %select_n3A_298 : f32
    %eq3A_305 = arith.cmpf oeq, %squeeze3A_301, %select_n3A_298 : f32
    %lt3A_306 = arith.cmpi slt, %squeeze3A_303, %select_n3A_299 : i32
    %and3A_307 = arith.andi %eq3A_305, %lt3A_306 : i1
    %or3A_308 = arith.ori %gt3A_304, %and3A_307 : i1
    %select_n3A_309 = arith.select %or3A_308, %squeeze3A_301, %select_n3A_298 : f32
    %select_n3A_310 = arith.select %or3A_308, %squeeze3A_303, %select_n3A_299 : i32
    %slice3A_311 = vector.extract_strided_slice %select_n3A_185 {offsets = [12], sizes = [1], strides = [1]} : vector<16xf32> to vector<1xf32>
    %squeeze3A_312 = vector.extract %slice3A_311[0] : f32 from vector<1xf32>
    %slice3A_313 = vector.extract_strided_slice %select_n3A_188 {offsets = [12], sizes = [1], strides = [1]} : vector<16xi32> to vector<1xi32>
    %squeeze3A_314 = vector.extract %slice3A_313[0] : i32 from vector<1xi32>
    %gt3A_315 = arith.cmpf ogt, %squeeze3A_312, %select_n3A_309 : f32
    %eq3A_316 = arith.cmpf oeq, %squeeze3A_312, %select_n3A_309 : f32
    %lt3A_317 = arith.cmpi slt, %squeeze3A_314, %select_n3A_310 : i32
    %and3A_318 = arith.andi %eq3A_316, %lt3A_317 : i1
    %or3A_319 = arith.ori %gt3A_315, %and3A_318 : i1
    %select_n3A_320 = arith.select %or3A_319, %squeeze3A_312, %select_n3A_309 : f32
    %select_n3A_321 = arith.select %or3A_319, %squeeze3A_314, %select_n3A_310 : i32
    %slice3A_322 = vector.extract_strided_slice %select_n3A_185 {offsets = [13], sizes = [1], strides = [1]} : vector<16xf32> to vector<1xf32>
    %squeeze3A_323 = vector.extract %slice3A_322[0] : f32 from vector<1xf32>
    %slice3A_324 = vector.extract_strided_slice %select_n3A_188 {offsets = [13], sizes = [1], strides = [1]} : vector<16xi32> to vector<1xi32>
    %squeeze3A_325 = vector.extract %slice3A_324[0] : i32 from vector<1xi32>
    %gt3A_326 = arith.cmpf ogt, %squeeze3A_323, %select_n3A_320 : f32
    %eq3A_327 = arith.cmpf oeq, %squeeze3A_323, %select_n3A_320 : f32
    %lt3A_328 = arith.cmpi slt, %squeeze3A_325, %select_n3A_321 : i32
    %and3A_329 = arith.andi %eq3A_327, %lt3A_328 : i1
    %or3A_330 = arith.ori %gt3A_326, %and3A_329 : i1
    %select_n3A_331 = arith.select %or3A_330, %squeeze3A_323, %select_n3A_320 : f32
    %select_n3A_332 = arith.select %or3A_330, %squeeze3A_325, %select_n3A_321 : i32
    %slice3A_333 = vector.extract_strided_slice %select_n3A_185 {offsets = [14], sizes = [1], strides = [1]} : vector<16xf32> to vector<1xf32>
    %squeeze3A_334 = vector.extract %slice3A_333[0] : f32 from vector<1xf32>
    %slice3A_335 = vector.extract_strided_slice %select_n3A_188 {offsets = [14], sizes = [1], strides = [1]} : vector<16xi32> to vector<1xi32>
    %squeeze3A_336 = vector.extract %slice3A_335[0] : i32 from vector<1xi32>
    %gt3A_337 = arith.cmpf ogt, %squeeze3A_334, %select_n3A_331 : f32
    %eq3A_338 = arith.cmpf oeq, %squeeze3A_334, %select_n3A_331 : f32
    %lt3A_339 = arith.cmpi slt, %squeeze3A_336, %select_n3A_332 : i32
    %and3A_340 = arith.andi %eq3A_338, %lt3A_339 : i1
    %or3A_341 = arith.ori %gt3A_337, %and3A_340 : i1
    %select_n3A_342 = arith.select %or3A_341, %squeeze3A_334, %select_n3A_331 : f32
    %select_n3A_343 = arith.select %or3A_341, %squeeze3A_336, %select_n3A_332 : i32
    %slice3A_344 = vector.extract_strided_slice %select_n3A_185 {offsets = [15], sizes = [1], strides = [1]} : vector<16xf32> to vector<1xf32>
    %squeeze3A_345 = vector.extract %slice3A_344[0] : f32 from vector<1xf32>
    %slice3A_346 = vector.extract_strided_slice %select_n3A_188 {offsets = [15], sizes = [1], strides = [1]} : vector<16xi32> to vector<1xi32>
    %squeeze3A_347 = vector.extract %slice3A_346[0] : i32 from vector<1xi32>
    %gt3A_348 = arith.cmpf ogt, %squeeze3A_345, %select_n3A_342 : f32
    %eq3A_349 = arith.cmpf oeq, %squeeze3A_345, %select_n3A_342 : f32
    %lt3A_350 = arith.cmpi slt, %squeeze3A_347, %select_n3A_343 : i32
    %and3A_351 = arith.andi %eq3A_349, %lt3A_350 : i1
    %or3A_352 = arith.ori %gt3A_348, %and3A_351 : i1
    %select_n3A_353 = arith.select %or3A_352, %squeeze3A_345, %select_n3A_342 : f32
    %select_n3A_354 = arith.select %or3A_352, %squeeze3A_347, %select_n3A_343 : i32
    %broadcast_in_dim3A_355 = vector.broadcast %select_n3A_353 : f32 to vector<16xf32>
    %mul3A_356 = arith.constant 8192 : i32
    %mul3A_357 = arith.muli %select_n3A_354, %mul3A_356 : i32
    %add3A_358 = arith.addi %mul3A_2, %mul3A_357 : i32
    %jit3A_359 = arith.constant 32768 : i32
    %div3A_360 = arith.divsi %add3A_358, %jit3A_359 : i32
    %sign3A_361 = arith.constant 0 : i32
    %sign3A_362 = arith.cmpi sgt, %add3A_358, %sign3A_361 : i32
    %sign3A_363 = arith.extui %sign3A_362 : i1 to i32
    %sign3A_364 = arith.constant 0 : i32
    %sign3A_365 = arith.cmpi slt, %add3A_358, %sign3A_364 : i32
    %sign3A_366 = arith.extui %sign3A_365 : i1 to i32
    %sign3A_367 = arith.subi %sign3A_363, %sign3A_366 : i32
    %sign3A_368 = arith.constant 0 : i32
    %sign3A_369 = arith.cmpi sgt, %jit3A_359, %sign3A_368 : i32
    %sign3A_370 = arith.extui %sign3A_369 : i1 to i32
    %sign3A_371 = arith.constant 0 : i32
    %sign3A_372 = arith.cmpi slt, %jit3A_359, %sign3A_371 : i32
    %sign3A_373 = arith.extui %sign3A_372 : i1 to i32
    %sign3A_374 = arith.subi %sign3A_370, %sign3A_373 : i32
    %ne3A_375 = arith.cmpi ne, %sign3A_367, %sign3A_374 : i32
    %rem3A_376 = arith.remsi %add3A_358, %jit3A_359 : i32
    %ne3A_377 = arith.constant 0 : i32
    %ne3A_378 = arith.cmpi ne, %rem3A_376, %ne3A_377 : i32
    %and3A_379 = arith.andi %ne3A_375, %ne3A_378 : i1
    %sub3A_380 = arith.constant 1 : i32
    %sub3A_381 = arith.subi %div3A_360, %sub3A_380 : i32
    %select_n3A_382 = arith.select %and3A_379, %sub3A_381, %div3A_360 : i32
    %jit3A_383 = arith.constant 32768 : i32
    %eq3A_384 = arith.constant 0 : i32
    %eq3A_385 = arith.cmpi eq, %jit3A_383, %eq3A_384 : i32
    %jit3A_386 = arith.constant 1 : i32
    %select_n3A_387 = arith.select %eq3A_385, %jit3A_386, %jit3A_383 : i32
    %rem3A_388 = arith.remsi %add3A_358, %select_n3A_387 : i32
    %ne3A_389 = arith.constant 0 : i32
    %ne3A_390 = arith.cmpi ne, %rem3A_388, %ne3A_389 : i32
    %lt3A_391 = arith.constant 0 : i32
    %lt3A_392 = arith.cmpi slt, %rem3A_388, %lt3A_391 : i32
    %lt3A_393 = arith.constant 0 : i32
    %lt3A_394 = arith.cmpi slt, %select_n3A_387, %lt3A_393 : i32
    %ne3A_395 = arith.xori %lt3A_392, %lt3A_394 : i1
    %and3A_396 = arith.andi %ne3A_395, %ne3A_390 : i1
    %add3A_397 = arith.addi %rem3A_388, %select_n3A_387 : i32
    %select_n3A_398 = arith.select %and3A_396, %add3A_397, %rem3A_388 : i32
    %dma_start3A_399 = arith.constant 0 : i32
    %dma_start3A_400 = arith.constant 0 : i32
    %dma_start3A_401 = tpu.memref_slice %arg5[%dma_start3A_399, %dma_start3A_400] : memref<2x8192xf32, #tpu.memory_space<vmem>> -> memref<1x8192xf32, #tpu.memory_space<vmem>>
    %dma_start3A_402 = tpu.memref_squeeze %dma_start3A_401 : memref<1x8192xf32, #tpu.memory_space<vmem>> -> memref<8192xf32, #tpu.memory_space<vmem>>
    %dma_start3A_403 = tpu.memref_slice %arg2[%select_n3A_382, %select_n3A_398] : memref<128x32768xf32, #tpu.memory_space<hbm>> -> memref<1x8192xf32, #tpu.memory_space<hbm>>
    %dma_start3A_404 = tpu.memref_squeeze %dma_start3A_403 : memref<1x8192xf32, #tpu.memory_space<hbm>> -> memref<8192xf32, #tpu.memory_space<hbm>>
    %dma_start3A_405 = arith.constant 0 : i32
    %dma_start3A_406 = tpu.memref_slice %arg5[%dma_start3A_399, %dma_start3A_405] : memref<2x8192xf32, #tpu.memory_space<vmem>> -> memref<1x8192xf32, #tpu.memory_space<vmem>>
    %dma_start3A_407 = tpu.memref_squeeze %dma_start3A_406 : memref<1x8192xf32, #tpu.memory_space<vmem>> -> memref<8192xf32, #tpu.memory_space<vmem>>
    %dma_start3A_408 = tpu.memref_slice %arg2[%select_n3A_382, %select_n3A_398] : memref<128x32768xf32, #tpu.memory_space<hbm>> -> memref<1x8192xf32, #tpu.memory_space<hbm>>
    %dma_start3A_409 = tpu.memref_squeeze %dma_start3A_408 : memref<1x8192xf32, #tpu.memory_space<hbm>> -> memref<8192xf32, #tpu.memory_space<hbm>>
    tpu.enqueue_dma source(%dma_start3A_409 : memref<8192xf32, #tpu.memory_space<hbm>>) target(%dma_start3A_407 : memref<8192xf32, #tpu.memory_space<vmem>>) target_semaphore(%arg8 : memref<!tpu.dma_semaphore, #tpu.memory_space<semaphore_mem>>)
    %dma_wait3A_410 = arith.constant 0 : i32
    %dma_wait3A_411 = arith.constant 0 : i32
    %dma_wait3A_412 = tpu.memref_slice %arg5[%dma_wait3A_410, %dma_wait3A_411] : memref<2x8192xf32, #tpu.memory_space<vmem>> -> memref<1x8192xf32, #tpu.memory_space<vmem>>
    %dma_wait3A_413 = tpu.memref_squeeze %dma_wait3A_412 : memref<1x8192xf32, #tpu.memory_space<vmem>> -> memref<8192xf32, #tpu.memory_space<vmem>>
    %dma_wait3A_414 = tpu.memref_slice %arg2[%select_n3A_382, %select_n3A_398] : memref<128x32768xf32, #tpu.memory_space<hbm>> -> memref<1x8192xf32, #tpu.memory_space<hbm>>
    %dma_wait3A_415 = tpu.memref_squeeze %dma_wait3A_414 : memref<1x8192xf32, #tpu.memory_space<hbm>> -> memref<8192xf32, #tpu.memory_space<hbm>>
    %dma_wait3A_416 = arith.constant 0 : i32
    %dma_wait3A_417 = tpu.memref_slice %arg5[%dma_wait3A_410, %dma_wait3A_416] : memref<2x8192xf32, #tpu.memory_space<vmem>> -> memref<1x8192xf32, #tpu.memory_space<vmem>>
    %dma_wait3A_418 = tpu.memref_squeeze %dma_wait3A_417 : memref<1x8192xf32, #tpu.memory_space<vmem>> -> memref<8192xf32, #tpu.memory_space<vmem>>
    %dma_wait3A_419 = tpu.memref_slice %arg2[%select_n3A_382, %select_n3A_398] : memref<128x32768xf32, #tpu.memory_space<hbm>> -> memref<1x8192xf32, #tpu.memory_space<hbm>>
    %dma_wait3A_420 = tpu.memref_squeeze %dma_wait3A_419 : memref<1x8192xf32, #tpu.memory_space<hbm>> -> memref<8192xf32, #tpu.memory_space<hbm>>
    tpu.wait_dma2 semaphore(%arg8 : memref<!tpu.dma_semaphore, #tpu.memory_space<semaphore_mem>>) src(%dma_wait3A_420 : memref<8192xf32, #tpu.memory_space<hbm>>) dst(%dma_wait3A_418 : memref<8192xf32, #tpu.memory_space<vmem>>)
    %iota3A = tpu.iota {dimensions = array<i32: 0>} : vector<16xi32>
    %broadcast_in_dim3A_421 = arith.constant 2147483647 : i32
    %broadcast_in_dim3A_422 = vector.broadcast %broadcast_in_dim3A_421 : i32 to vector<16xi32>
    %broadcast_in_dim3A_423 = arith.constant 2147483647 : i32
    %broadcast_in_dim3A_424 = vector.broadcast %broadcast_in_dim3A_423 : i32 to vector<16xi32>
    %broadcast_in_dim3A_425 = arith.constant 2147483647 : i32
    %broadcast_in_dim3A_426 = vector.broadcast %broadcast_in_dim3A_425 : i32 to vector<16xi32>
    %broadcast_in_dim3A_427 = arith.constant 2147483647 : i32
    %broadcast_in_dim3A_428 = vector.broadcast %broadcast_in_dim3A_427 : i32 to vector<16xi32>
    %add3A_429 = arith.constant 0 : i32
    %add3A_430 = vector.broadcast %add3A_429 : i32 to vector<16xi32>
    %add3A_431 = arith.addi %iota3A, %add3A_430 : vector<16xi32>
    %add3A_432 = arith.constant 16 : i32
    %add3A_433 = vector.broadcast %add3A_432 : i32 to vector<16xi32>
    %add3A_434 = arith.addi %iota3A, %add3A_433 : vector<16xi32>
    %add3A_435 = arith.constant 32 : i32
    %add3A_436 = vector.broadcast %add3A_435 : i32 to vector<16xi32>
    %add3A_437 = arith.addi %iota3A, %add3A_436 : vector<16xi32>
    %add3A_438 = arith.constant 48 : i32
    %add3A_439 = vector.broadcast %add3A_438 : i32 to vector<16xi32>
    %add3A_440 = arith.addi %iota3A, %add3A_439 : vector<16xi32>
    %scan3A_441 = arith.constant 0 : i32
    %scan3A_442 = arith.constant 128 : i32
    %scan3A_443 = arith.addi %scan3A_441, %scan3A_442 : i32
    %scan3A_444 = arith.constant 1 : i32
    %scan3A_445:8 = scf.for %scan3A_508 = %scan3A_441 to %scan3A_443 step %scan3A_444 iter_args(%scan3A_509 = %broadcast_in_dim3A_422, %scan3A_510 = %broadcast_in_dim3A_424, %scan3A_511 = %broadcast_in_dim3A_426, %scan3A_512 = %broadcast_in_dim3A_428, %scan3A_513 = %add3A_431, %scan3A_514 = %add3A_434, %scan3A_515 = %add3A_437, %scan3A_516 = %add3A_440) -> (vector<16xi32>, vector<16xi32>, vector<16xi32>, vector<16xi32>, vector<16xi32>, vector<16xi32>, vector<16xi32>, vector<16xi32>)  : i32 {
      %mul3A_517 = arith.constant 64 : i32
      %mul3A_518 = arith.muli %scan3A_508, %mul3A_517 : i32
      %add3A_519 = arith.constant 0 : i32
      %add3A_520 = arith.addi %mul3A_518, %add3A_519 : i32
      %get3A = arith.constant 0 : i32
      %get3A_521 = arith.index_cast %get3A : i32 to index
      %get3A_522 = arith.index_cast %add3A_520 : i32 to index
      %get3A_523 = tpu.vector_load %arg5[%get3A_521, %get3A_522] {strides = array<i32>} : memref<2x8192xf32, #tpu.memory_space<vmem>>, vector<1x16xf32>,
      %get3A_524 = vector.shape_cast %get3A_523 : vector<1x16xf32> to vector<16xf32>
      %eq3A_525 = arith.cmpf oeq, %get3A_524, %broadcast_in_dim3A_355 : vector<16xf32>
      %jit3A_526 = arith.constant 2147483647 : i32
      %broadcast_in_dim3A_527 = vector.broadcast %jit3A_526 : i32 to vector<16xi32>
      %select_n3A_528 = arith.select %eq3A_525, %scan3A_513, %broadcast_in_dim3A_527 : vector<16xi1>, vector<16xi32>
      %min3A_529 = arith.minsi %scan3A_509, %select_n3A_528 : vector<16xi32>
      %add3A_530 = arith.constant 64 : i32
      %add3A_531 = vector.broadcast %add3A_530 : i32 to vector<16xi32>
      %add3A_532 = arith.addi %scan3A_513, %add3A_531 : vector<16xi32>
      %add3A_533 = arith.constant 16 : i32
      %add3A_534 = arith.addi %mul3A_518, %add3A_533 : i32
      %get3A_535 = arith.constant 0 : i32
      %get3A_536 = arith.index_cast %get3A_535 : i32 to index
      %get3A_537 = arith.index_cast %add3A_534 : i32 to index
      %get3A_538 = tpu.vector_load %arg5[%get3A_536, %get3A_537] {strides = array<i32>} : memref<2x8192xf32, #tpu.memory_space<vmem>>, vector<1x16xf32>,
      %get3A_539 = vector.shape_cast %get3A_538 : vector<1x16xf32> to vector<16xf32>
      %eq3A_540 = arith.cmpf oeq, %get3A_539, %broadcast_in_dim3A_355 : vector<16xf32>
      %jit3A_541 = arith.constant 2147483647 : i32
      %broadcast_in_dim3A_542 = vector.broadcast %jit3A_541 : i32 to vector<16xi32>
      %select_n3A_543 = arith.select %eq3A_540, %scan3A_514, %broadcast_in_dim3A_542 : vector<16xi1>, vector<16xi32>
      %min3A_544 = arith.minsi %scan3A_510, %select_n3A_543 : vector<16xi32>
      %add3A_545 = arith.constant 64 : i32
      %add3A_546 = vector.broadcast %add3A_545 : i32 to vector<16xi32>
      %add3A_547 = arith.addi %scan3A_514, %add3A_546 : vector<16xi32>
      %add3A_548 = arith.constant 32 : i32
      %add3A_549 = arith.addi %mul3A_518, %add3A_548 : i32
      %get3A_550 = arith.constant 0 : i32
      %get3A_551 = arith.index_cast %get3A_550 : i32 to index
      %get3A_552 = arith.index_cast %add3A_549 : i32 to index
      %get3A_553 = tpu.vector_load %arg5[%get3A_551, %get3A_552] {strides = array<i32>} : memref<2x8192xf32, #tpu.memory_space<vmem>>, vector<1x16xf32>,
      %get3A_554 = vector.shape_cast %get3A_553 : vector<1x16xf32> to vector<16xf32>
      %eq3A_555 = arith.cmpf oeq, %get3A_554, %broadcast_in_dim3A_355 : vector<16xf32>
      %jit3A_556 = arith.constant 2147483647 : i32
      %broadcast_in_dim3A_557 = vector.broadcast %jit3A_556 : i32 to vector<16xi32>
      %select_n3A_558 = arith.select %eq3A_555, %scan3A_515, %broadcast_in_dim3A_557 : vector<16xi1>, vector<16xi32>
      %min3A_559 = arith.minsi %scan3A_511, %select_n3A_558 : vector<16xi32>
      %add3A_560 = arith.constant 64 : i32
      %add3A_561 = vector.broadcast %add3A_560 : i32 to vector<16xi32>
      %add3A_562 = arith.addi %scan3A_515, %add3A_561 : vector<16xi32>
      %add3A_563 = arith.constant 48 : i32
      %add3A_564 = arith.addi %mul3A_518, %add3A_563 : i32
      %get3A_565 = arith.constant 0 : i32
      %get3A_566 = arith.index_cast %get3A_565 : i32 to index
      %get3A_567 = arith.index_cast %add3A_564 : i32 to index
      %get3A_568 = tpu.vector_load %arg5[%get3A_566, %get3A_567] {strides = array<i32>} : memref<2x8192xf32, #tpu.memory_space<vmem>>, vector<1x16xf32>,
      %get3A_569 = vector.shape_cast %get3A_568 : vector<1x16xf32> to vector<16xf32>
      %eq3A_570 = arith.cmpf oeq, %get3A_569, %broadcast_in_dim3A_355 : vector<16xf32>
      %jit3A_571 = arith.constant 2147483647 : i32
      %broadcast_in_dim3A_572 = vector.broadcast %jit3A_571 : i32 to vector<16xi32>
      %select_n3A_573 = arith.select %eq3A_570, %scan3A_516, %broadcast_in_dim3A_572 : vector<16xi1>, vector<16xi32>
      %min3A_574 = arith.minsi %scan3A_512, %select_n3A_573 : vector<16xi32>
      %add3A_575 = arith.constant 64 : i32
      %add3A_576 = vector.broadcast %add3A_575 : i32 to vector<16xi32>
      %add3A_577 = arith.addi %scan3A_516, %add3A_576 : vector<16xi32>
      scf.yield %min3A_529, %min3A_544, %min3A_559, %min3A_574, %add3A_532, %add3A_547, %add3A_562, %add3A_577 : vector<16xi32>, vector<16xi32>, vector<16xi32>, vector<16xi32>, vector<16xi32>, vector<16xi32>, vector<16xi32>, vector<16xi32>
    }
    %scan3A_446 = arith.constant 128 : i32
    %min3A = arith.minsi %scan3A_445#0, %scan3A_445#1 : vector<16xi32>
    %min3A_447 = arith.minsi %min3A, %scan3A_445#2 : vector<16xi32>
    %min3A_448 = arith.minsi %min3A_447, %scan3A_445#3 : vector<16xi32>
    %slice3A_449 = vector.extract_strided_slice %min3A_448 {offsets = [0], sizes = [1], strides = [1]} : vector<16xi32> to vector<1xi32>
    %squeeze3A_450 = vector.extract %slice3A_449[0] : i32 from vector<1xi32>
    %slice3A_451 = vector.extract_strided_slice %min3A_448 {offsets = [1], sizes = [1], strides = [1]} : vector<16xi32> to vector<1xi32>
    %squeeze3A_452 = vector.extract %slice3A_451[0] : i32 from vector<1xi32>
    %min3A_453 = arith.minsi %squeeze3A_450, %squeeze3A_452 : i32
    %slice3A_454 = vector.extract_strided_slice %min3A_448 {offsets = [2], sizes = [1], strides = [1]} : vector<16xi32> to vector<1xi32>
    %squeeze3A_455 = vector.extract %slice3A_454[0] : i32 from vector<1xi32>
    %min3A_456 = arith.minsi %min3A_453, %squeeze3A_455 : i32
    %slice3A_457 = vector.extract_strided_slice %min3A_448 {offsets = [3], sizes = [1], strides = [1]} : vector<16xi32> to vector<1xi32>
    %squeeze3A_458 = vector.extract %slice3A_457[0] : i32 from vector<1xi32>
    %min3A_459 = arith.minsi %min3A_456, %squeeze3A_458 : i32
    %slice3A_460 = vector.extract_strided_slice %min3A_448 {offsets = [4], sizes = [1], strides = [1]} : vector<16xi32> to vector<1xi32>
    %squeeze3A_461 = vector.extract %slice3A_460[0] : i32 from vector<1xi32>
    %min3A_462 = arith.minsi %min3A_459, %squeeze3A_461 : i32
    %slice3A_463 = vector.extract_strided_slice %min3A_448 {offsets = [5], sizes = [1], strides = [1]} : vector<16xi32> to vector<1xi32>
    %squeeze3A_464 = vector.extract %slice3A_463[0] : i32 from vector<1xi32>
    %min3A_465 = arith.minsi %min3A_462, %squeeze3A_464 : i32
    %slice3A_466 = vector.extract_strided_slice %min3A_448 {offsets = [6], sizes = [1], strides = [1]} : vector<16xi32> to vector<1xi32>
    %squeeze3A_467 = vector.extract %slice3A_466[0] : i32 from vector<1xi32>
    %min3A_468 = arith.minsi %min3A_465, %squeeze3A_467 : i32
    %slice3A_469 = vector.extract_strided_slice %min3A_448 {offsets = [7], sizes = [1], strides = [1]} : vector<16xi32> to vector<1xi32>
    %squeeze3A_470 = vector.extract %slice3A_469[0] : i32 from vector<1xi32>
    %min3A_471 = arith.minsi %min3A_468, %squeeze3A_470 : i32
    %slice3A_472 = vector.extract_strided_slice %min3A_448 {offsets = [8], sizes = [1], strides = [1]} : vector<16xi32> to vector<1xi32>
    %squeeze3A_473 = vector.extract %slice3A_472[0] : i32 from vector<1xi32>
    %min3A_474 = arith.minsi %min3A_471, %squeeze3A_473 : i32
    %slice3A_475 = vector.extract_strided_slice %min3A_448 {offsets = [9], sizes = [1], strides = [1]} : vector<16xi32> to vector<1xi32>
    %squeeze3A_476 = vector.extract %slice3A_475[0] : i32 from vector<1xi32>
    %min3A_477 = arith.minsi %min3A_474, %squeeze3A_476 : i32
    %slice3A_478 = vector.extract_strided_slice %min3A_448 {offsets = [10], sizes = [1], strides = [1]} : vector<16xi32> to vector<1xi32>
    %squeeze3A_479 = vector.extract %slice3A_478[0] : i32 from vector<1xi32>
    %min3A_480 = arith.minsi %min3A_477, %squeeze3A_479 : i32
    %slice3A_481 = vector.extract_strided_slice %min3A_448 {offsets = [11], sizes = [1], strides = [1]} : vector<16xi32> to vector<1xi32>
    %squeeze3A_482 = vector.extract %slice3A_481[0] : i32 from vector<1xi32>
    %min3A_483 = arith.minsi %min3A_480, %squeeze3A_482 : i32
    %slice3A_484 = vector.extract_strided_slice %min3A_448 {offsets = [12], sizes = [1], strides = [1]} : vector<16xi32> to vector<1xi32>
    %squeeze3A_485 = vector.extract %slice3A_484[0] : i32 from vector<1xi32>
    %min3A_486 = arith.minsi %min3A_483, %squeeze3A_485 : i32
    %slice3A_487 = vector.extract_strided_slice %min3A_448 {offsets = [13], sizes = [1], strides = [1]} : vector<16xi32> to vector<1xi32>
    %squeeze3A_488 = vector.extract %slice3A_487[0] : i32 from vector<1xi32>
    %min3A_489 = arith.minsi %min3A_486, %squeeze3A_488 : i32
    %slice3A_490 = vector.extract_strided_slice %min3A_448 {offsets = [14], sizes = [1], strides = [1]} : vector<16xi32> to vector<1xi32>
    %squeeze3A_491 = vector.extract %slice3A_490[0] : i32 from vector<1xi32>
    %min3A_492 = arith.minsi %min3A_489, %squeeze3A_491 : i32
    %slice3A_493 = vector.extract_strided_slice %min3A_448 {offsets = [15], sizes = [1], strides = [1]} : vector<16xi32> to vector<1xi32>
    %squeeze3A_494 = vector.extract %slice3A_493[0] : i32 from vector<1xi32>
    %min3A_495 = arith.minsi %min3A_492, %squeeze3A_494 : i32
    %mul3A_496 = arith.constant 8192 : i32
    %mul3A_497 = arith.muli %select_n3A_354, %mul3A_496 : i32
    %add3A_498 = arith.addi %mul3A_2, %mul3A_497 : i32
    %add3A_499 = arith.addi %add3A_498, %min3A_495 : i32
    %swap3A = arith.constant 0 : index
    %swap3A_500 = tpu.vector_load %arg6[%swap3A] {strides = array<i32>} : memref<16xf32, #tpu.memory_space<vmem>>, vector<16xf32>,
    %swap3A_501 = vector.shape_cast %swap3A_500 : vector<16xf32> to vector<16xf32>
    %swap3A_502 = vector.shape_cast %broadcast_in_dim3A_355 : vector<16xf32> to vector<16xf32>
    tpu.vector_store %arg6[%swap3A], %swap3A_502 {strides = array<i32>} : memref<16xf32, #tpu.memory_space<vmem>>, vector<16xf32>,
    %broadcast_in_dim3A_503 = vector.broadcast %add3A_499 : i32 to vector<16xi32>
    %swap3A_504 = arith.constant 0 : index
    %swap3A_505 = tpu.vector_load %arg7[%swap3A_504] {strides = array<i32>} : memref<16xi32, #tpu.memory_space<vmem>>, vector<16xi32>,
    %swap3A_506 = vector.shape_cast %swap3A_505 : vector<16xi32> to vector<16xi32>
    %swap3A_507 = vector.shape_cast %broadcast_in_dim3A_503 : vector<16xi32> to vector<16xi32>
    tpu.vector_store %arg7[%swap3A_504], %swap3A_507 {strides = array<i32>} : memref<16xi32, #tpu.memory_space<vmem>>, vector<16xi32>,
    "tpu.region"() ({
      %run_scoped3A = tpu.sem_alloc : memref<!tpu.dma_semaphore, #tpu.memory_space<semaphore_mem>>
      %dma_start3A_508 = arith.constant 0 : i32
      %dma_start3A_509 = tpu.memref_slice %arg3[%add3A, %dma_start3A_508] : memref<32x16xf32, #tpu.memory_space<hbm>> -> memref<1x16xf32, #tpu.memory_space<hbm>>
      %dma_start3A_510 = tpu.memref_squeeze %dma_start3A_509 : memref<1x16xf32, #tpu.memory_space<hbm>> -> memref<16xf32, #tpu.memory_space<hbm>>
      %dma_start3A_511 = arith.constant 0 : i32
      %dma_start3A_512 = tpu.memref_slice %arg3[%add3A, %dma_start3A_511] : memref<32x16xf32, #tpu.memory_space<hbm>> -> memref<1x16xf32, #tpu.memory_space<hbm>>
      %dma_start3A_513 = tpu.memref_squeeze %dma_start3A_512 : memref<1x16xf32, #tpu.memory_space<hbm>> -> memref<16xf32, #tpu.memory_space<hbm>>
      tpu.enqueue_dma source(%arg6 : memref<16xf32, #tpu.memory_space<vmem>>) target(%dma_start3A_513 : memref<16xf32, #tpu.memory_space<hbm>>) target_semaphore(%run_scoped3A : memref<!tpu.dma_semaphore, #tpu.memory_space<semaphore_mem>>)
      %dma_wait3A_514 = arith.constant 0 : i32
      %dma_wait3A_515 = tpu.memref_slice %arg3[%add3A, %dma_wait3A_514] : memref<32x16xf32, #tpu.memory_space<hbm>> -> memref<1x16xf32, #tpu.memory_space<hbm>>
      %dma_wait3A_516 = tpu.memref_squeeze %dma_wait3A_515 : memref<1x16xf32, #tpu.memory_space<hbm>> -> memref<16xf32, #tpu.memory_space<hbm>>
      %dma_wait3A_517 = arith.constant 0 : i32
      %dma_wait3A_518 = tpu.memref_slice %arg3[%add3A, %dma_wait3A_517] : memref<32x16xf32, #tpu.memory_space<hbm>> -> memref<1x16xf32, #tpu.memory_space<hbm>>
      %dma_wait3A_519 = tpu.memref_squeeze %dma_wait3A_518 : memref<1x16xf32, #tpu.memory_space<hbm>> -> memref<16xf32, #tpu.memory_space<hbm>>
      tpu.wait_dma2 semaphore(%run_scoped3A : memref<!tpu.dma_semaphore, #tpu.memory_space<semaphore_mem>>) src(%arg6 : memref<16xf32, #tpu.memory_space<vmem>>) dst(%dma_wait3A_519 : memref<16xf32, #tpu.memory_space<hbm>>)
      tpu.yield
    }) : () -> ()
    "tpu.region"() ({
      %run_scoped3A = tpu.sem_alloc : memref<!tpu.dma_semaphore, #tpu.memory_space<semaphore_mem>>
      %dma_start3A_508 = arith.constant 0 : i32
      %dma_start3A_509 = tpu.memref_slice %arg4[%add3A, %dma_start3A_508] : memref<32x16xi32, #tpu.memory_space<hbm>> -> memref<1x16xi32, #tpu.memory_space<hbm>>
      %dma_start3A_510 = tpu.memref_squeeze %dma_start3A_509 : memref<1x16xi32, #tpu.memory_space<hbm>> -> memref<16xi32, #tpu.memory_space<hbm>>
      %dma_start3A_511 = arith.constant 0 : i32
      %dma_start3A_512 = tpu.memref_slice %arg4[%add3A, %dma_start3A_511] : memref<32x16xi32, #tpu.memory_space<hbm>> -> memref<1x16xi32, #tpu.memory_space<hbm>>
      %dma_start3A_513 = tpu.memref_squeeze %dma_start3A_512 : memref<1x16xi32, #tpu.memory_space<hbm>> -> memref<16xi32, #tpu.memory_space<hbm>>
      tpu.enqueue_dma source(%arg7 : memref<16xi32, #tpu.memory_space<vmem>>) target(%dma_start3A_513 : memref<16xi32, #tpu.memory_space<hbm>>) target_semaphore(%run_scoped3A : memref<!tpu.dma_semaphore, #tpu.memory_space<semaphore_mem>>)
      %dma_wait3A_514 = arith.constant 0 : i32
      %dma_wait3A_515 = tpu.memref_slice %arg4[%add3A, %dma_wait3A_514] : memref<32x16xi32, #tpu.memory_space<hbm>> -> memref<1x16xi32, #tpu.memory_space<hbm>>
      %dma_wait3A_516 = tpu.memref_squeeze %dma_wait3A_515 : memref<1x16xi32, #tpu.memory_space<hbm>> -> memref<16xi32, #tpu.memory_space<hbm>>
      %dma_wait3A_517 = arith.constant 0 : i32
      %dma_wait3A_518 = tpu.memref_slice %arg4[%add3A, %dma_wait3A_517] : memref<32x16xi32, #tpu.memory_space<hbm>> -> memref<1x16xi32, #tpu.memory_space<hbm>>
      %dma_wait3A_519 = tpu.memref_squeeze %dma_wait3A_518 : memref<1x16xi32, #tpu.memory_space<hbm>> -> memref<16xi32, #tpu.memory_space<hbm>>
      tpu.wait_dma2 semaphore(%run_scoped3A : memref<!tpu.dma_semaphore, #tpu.memory_space<semaphore_mem>>) src(%arg7 : memref<16xi32, #tpu.memory_space<vmem>>) dst(%dma_wait3A_519 : memref<16xi32, #tpu.memory_space<hbm>>)
      tpu.yield
    }) : () -> ()
    return
  }
}

module attributes {stable_mosaic.version = 14 : i64} {
  func.func @_tc_pass1_body(%arg0: i32, %arg1: memref<16x32768xf32, #tpu.memory_space<vmem>>, %arg2: memref<1xf32, #tpu.memory_space<smem>>, %arg3: memref<1xi32, #tpu.memory_space<smem>>, %arg4: memref<1xf32, #tpu.memory_space<smem>>, %arg5: memref<1xi32, #tpu.memory_space<smem>>) attributes {dimension_semantics = [#tpu.dimension_semantics<arbitrary>], iteration_bounds = array<i64: 7>, scalar_prefetch = 0 : i64, scratch_operands = 2 : i64, tpu.core_type = #tpu.core_type<tc>, window_params = [{transform_indices = @transform_0, window_bounds = array<i64: 16, 32768>}, {transform_indices = @transform_1, window_bounds = array<i64: 1>}, {transform_indices = @transform_2, window_bounds = array<i64: 1>}]} {
    %get3A = arith.constant 0 : index
    %get3A_0 = arith.constant 0 : index
    %get3A_1 = vector.load %arg1[%get3A, %get3A_0] : memref<16x32768xf32, #tpu.memory_space<vmem>>, vector<16x32768xf32>
    %eq3A = arith.constant 0 : i32
    %eq3A_2 = arith.cmpi eq, %arg0, %eq3A : i32
    %convert_element_type3A = arith.extui %eq3A_2 : i1 to i32
    %cond3A = arith.constant 0 : i32
    %cond3A_3 = arith.cmpi ne, %convert_element_type3A, %cond3A : i32
    scf.if %cond3A_3 {
      %swap3A_52 = arith.constant 0xFF800000 : f32
      %swap3A_53 = arith.constant 0 : index
      %swap3A_54 = memref.load %arg4[%swap3A_53] : memref<1xf32, #tpu.memory_space<smem>>
      memref.store %swap3A_52, %arg4[%swap3A_53] : memref<1xf32, #tpu.memory_space<smem>>
      %swap3A_55 = arith.constant 0 : i32
      %swap3A_56 = arith.constant 0 : index
      %swap3A_57 = memref.load %arg5[%swap3A_56] : memref<1xi32, #tpu.memory_space<smem>>
      memref.store %swap3A_55, %arg5[%swap3A_56] : memref<1xi32, #tpu.memory_space<smem>>
    } else {
    }
    %slice3A = vector.extract_strided_slice %get3A_1 {offsets = [0, 0], sizes = [8, 32768], strides = [1, 1]} : vector<16x32768xf32> to vector<8x32768xf32>
    %reduce_max3A = vector.shape_cast %slice3A : vector<8x32768xf32> to vector<1x8x32768xf32>
    %reduce_max3A_4 = arith.constant dense<0xFF800000> : vector<1xf32>
    %reduce_max3A_5 = vector.multi_reduction <maximumf>, %reduce_max3A, %reduce_max3A_4 [1, 2] : vector<1x8x32768xf32> to vector<1xf32>
    %reduce_max3A_6 = vector.shape_cast %reduce_max3A_5 : vector<1xf32> to vector<1x1x1xf32>
    %reduce_max3A_7 = vector.extract %reduce_max3A_6[0, 0, 0] : f32 from vector<1x1x1xf32>
    %get3A_8 = arith.constant 0 : index
    %get3A_9 = memref.load %arg4[%get3A_8] : memref<1xf32, #tpu.memory_space<smem>>
    %gt3A = arith.cmpf ogt, %reduce_max3A_7, %get3A_9 : f32
    %get3A_10 = arith.constant 0 : index
    %get3A_11 = memref.load %arg4[%get3A_10] : memref<1xf32, #tpu.memory_space<smem>>
    %select_n3A = arith.select %gt3A, %reduce_max3A_7, %get3A_11 : f32
    %swap3A = arith.constant 0 : index
    %swap3A_12 = memref.load %arg4[%swap3A] : memref<1xf32, #tpu.memory_space<smem>>
    memref.store %select_n3A, %arg4[%swap3A] : memref<1xf32, #tpu.memory_space<smem>>
    %mul3A = arith.constant 2 : i32
    %mul3A_13 = arith.muli %arg0, %mul3A : i32
    %add3A = arith.constant 2 : i32
    %add3A_14 = arith.addi %add3A, %mul3A_13 : i32
    %add3A_15 = arith.constant 0 : i32
    %add3A_16 = arith.addi %add3A_14, %add3A_15 : i32
    %get3A_17 = arith.constant 0 : index
    %get3A_18 = memref.load %arg5[%get3A_17] : memref<1xi32, #tpu.memory_space<smem>>
    %select_n3A_19 = arith.select %gt3A, %add3A_16, %get3A_18 : i32
    %swap3A_20 = arith.constant 0 : index
    %swap3A_21 = memref.load %arg5[%swap3A_20] : memref<1xi32, #tpu.memory_space<smem>>
    memref.store %select_n3A_19, %arg5[%swap3A_20] : memref<1xi32, #tpu.memory_space<smem>>
    %slice3A_22 = vector.extract_strided_slice %get3A_1 {offsets = [8, 0], sizes = [8, 32768], strides = [1, 1]} : vector<16x32768xf32> to vector<8x32768xf32>
    %reduce_max3A_23 = vector.shape_cast %slice3A_22 : vector<8x32768xf32> to vector<1x8x32768xf32>
    %reduce_max3A_24 = arith.constant dense<0xFF800000> : vector<1xf32>
    %reduce_max3A_25 = vector.multi_reduction <maximumf>, %reduce_max3A_23, %reduce_max3A_24 [1, 2] : vector<1x8x32768xf32> to vector<1xf32>
    %reduce_max3A_26 = vector.shape_cast %reduce_max3A_25 : vector<1xf32> to vector<1x1x1xf32>
    %reduce_max3A_27 = vector.extract %reduce_max3A_26[0, 0, 0] : f32 from vector<1x1x1xf32>
    %get3A_28 = arith.constant 0 : index
    %get3A_29 = memref.load %arg4[%get3A_28] : memref<1xf32, #tpu.memory_space<smem>>
    %gt3A_30 = arith.cmpf ogt, %reduce_max3A_27, %get3A_29 : f32
    %get3A_31 = arith.constant 0 : index
    %get3A_32 = memref.load %arg4[%get3A_31] : memref<1xf32, #tpu.memory_space<smem>>
    %select_n3A_33 = arith.select %gt3A_30, %reduce_max3A_27, %get3A_32 : f32
    %swap3A_34 = arith.constant 0 : index
    %swap3A_35 = memref.load %arg4[%swap3A_34] : memref<1xf32, #tpu.memory_space<smem>>
    memref.store %select_n3A_33, %arg4[%swap3A_34] : memref<1xf32, #tpu.memory_space<smem>>
    %mul3A_36 = arith.constant 2 : i32
    %mul3A_37 = arith.muli %arg0, %mul3A_36 : i32
    %add3A_38 = arith.constant 2 : i32
    %add3A_39 = arith.addi %add3A_38, %mul3A_37 : i32
    %add3A_40 = arith.constant 1 : i32
    %add3A_41 = arith.addi %add3A_39, %add3A_40 : i32
    %get3A_42 = arith.constant 0 : index
    %get3A_43 = memref.load %arg5[%get3A_42] : memref<1xi32, #tpu.memory_space<smem>>
    %select_n3A_44 = arith.select %gt3A_30, %add3A_41, %get3A_43 : i32
    %swap3A_45 = arith.constant 0 : index
    %swap3A_46 = memref.load %arg5[%swap3A_45] : memref<1xi32, #tpu.memory_space<smem>>
    memref.store %select_n3A_44, %arg5[%swap3A_45] : memref<1xi32, #tpu.memory_space<smem>>
    %eq3A_47 = arith.constant 6 : i32
    %eq3A_48 = arith.cmpi eq, %arg0, %eq3A_47 : i32
    %convert_element_type3A_49 = arith.extui %eq3A_48 : i1 to i32
    %cond3A_50 = arith.constant 0 : i32
    %cond3A_51 = arith.cmpi ne, %convert_element_type3A_49, %cond3A_50 : i32
    scf.if %cond3A_51 {
      %get3A_52 = arith.constant 0 : index
      %get3A_53 = memref.load %arg4[%get3A_52] : memref<1xf32, #tpu.memory_space<smem>>
      %swap3A_54 = arith.constant 0 : index
      %swap3A_55 = memref.load %arg2[%swap3A_54] : memref<1xf32, #tpu.memory_space<smem>>
      memref.store %get3A_53, %arg2[%swap3A_54] : memref<1xf32, #tpu.memory_space<smem>>
      %get3A_56 = arith.constant 0 : index
      %get3A_57 = memref.load %arg5[%get3A_56] : memref<1xi32, #tpu.memory_space<smem>>
      %swap3A_58 = arith.constant 0 : index
      %swap3A_59 = memref.load %arg3[%swap3A_58] : memref<1xi32, #tpu.memory_space<smem>>
      memref.store %get3A_57, %arg3[%swap3A_58] : memref<1xi32, #tpu.memory_space<smem>>
    } else {
    }
    return
  }
  func.func @transform_0(%arg0: i32) -> (i32, i32) {
    %add3A = arith.constant 1 : i32
    %add3A_0 = arith.addi %add3A, %arg0 : i32
    %c0_i32 = arith.constant 0 : i32
    %c0_i32_1 = arith.constant 0 : i32
    return %add3A_0, %c0_i32 : i32, i32
  }
  func.func @transform_1(%arg0: i32) -> i32 {
    %c0_i32 = arith.constant 0 : i32
    %c0_i32_0 = arith.constant 0 : i32
    return %c0_i32 : i32
  }
  func.func @transform_2(%arg0: i32) -> i32 {
    %c0_i32 = arith.constant 0 : i32
    %c0_i32_0 = arith.constant 0 : i32
    return %c0_i32 : i32
  }
}

module attributes {stable_mosaic.version = 14 : i64} {
  func.func @_tc_pass2_body(%arg0: i32, %arg1: memref<1xi32, #tpu.memory_space<smem>>, %arg2: memref<8x32768xf32, #tpu.memory_space<vmem>>, %arg3: memref<1xf32, #tpu.memory_space<smem>>, %arg4: memref<32x16xf32, #tpu.memory_space<vmem>>, %arg5: memref<32x16xi32, #tpu.memory_space<vmem>>, %arg6: memref<1xi32, #tpu.memory_space<smem>>) attributes {dimension_semantics = [#tpu.dimension_semantics<arbitrary>], iteration_bounds = array<i64: 1>, scalar_prefetch = 1 : i64, scratch_operands = 0 : i64, tpu.core_type = #tpu.core_type<tc>, window_params = [{transform_indices = @transform_0, window_bounds = array<i64: 8, 32768>}, {transform_indices = @transform_1, window_bounds = array<i64: 1>}, {pipeline_mode = #tpu.pipeline_mode<synchronous>, transform_indices = @transform_2, window_bounds = array<i64: 32, 16>}, {pipeline_mode = #tpu.pipeline_mode<synchronous>, transform_indices = @transform_3, window_bounds = array<i64: 32, 16>}, {transform_indices = @transform_4, window_bounds = array<i64: 1>}]} {
    %get3A = arith.constant 0 : index
    %get3A_0 = arith.constant 0 : index
    %get3A_1 = vector.load %arg2[%get3A, %get3A_0] : memref<8x32768xf32, #tpu.memory_space<vmem>>, vector<8x32768xf32>
    %get3A_2 = arith.constant 0 : index
    %get3A_3 = memref.load %arg3[%get3A_2] : memref<1xf32, #tpu.memory_space<smem>>
    %iota3A = tpu.iota {dimensions = array<i32: 0>} : vector<8x32768xi32>
    %iota3A_4 = tpu.iota {dimensions = array<i32: 1>} : vector<8x32768xi32>
    %mul3A = arith.constant 32768 : i32
    %mul3A_5 = vector.broadcast %mul3A : i32 to vector<8x32768xi32>
    %mul3A_6 = arith.muli %iota3A, %mul3A_5 : vector<8x32768xi32>
    %add3A = arith.addi %mul3A_6, %iota3A_4 : vector<8x32768xi32>
    %eq3A = vector.broadcast %get3A_3 : f32 to vector<8x32768xf32>
    %eq3A_7 = arith.cmpf oeq, %get3A_1, %eq3A : vector<8x32768xf32>
    %jit3A = arith.constant 2147483647 : i32
    %broadcast_in_dim3A = vector.broadcast %jit3A : i32 to vector<8x32768xi32>
    %select_n3A = arith.select %eq3A_7, %add3A, %broadcast_in_dim3A : vector<8x32768xi1>, vector<8x32768xi32>
    %reduce_min3A = vector.shape_cast %select_n3A : vector<8x32768xi32> to vector<1x8x32768xi32>
    %reduce_min3A_8 = arith.constant dense<2147483647> : vector<1xi32>
    %reduce_min3A_9 = vector.multi_reduction <minsi>, %reduce_min3A, %reduce_min3A_8 [1, 2] : vector<1x8x32768xi32> to vector<1xi32>
    %reduce_min3A_10 = vector.shape_cast %reduce_min3A_9 : vector<1xi32> to vector<1x1x1xi32>
    %reduce_min3A_11 = vector.extract %reduce_min3A_10[0, 0, 0] : i32 from vector<1x1x1xi32>
    %get3A_12 = arith.constant 0 : index
    %get3A_13 = memref.load %arg1[%get3A_12] : memref<1xi32, #tpu.memory_space<smem>>
    %mul3A_14 = arith.constant 262144 : i32
    %mul3A_15 = arith.muli %get3A_13, %mul3A_14 : i32
    %add3A_16 = arith.addi %mul3A_15, %reduce_min3A_11 : i32
    %get3A_17 = arith.constant 0 : index
    %get3A_18 = arith.constant 0 : index
    %get3A_19 = vector.load %arg4[%get3A_17, %get3A_18] : memref<32x16xf32, #tpu.memory_space<vmem>>, vector<32x16xf32>
    %get3A_20 = arith.constant 0 : index
    %get3A_21 = arith.constant 0 : index
    %get3A_22 = vector.load %arg5[%get3A_20, %get3A_21] : memref<32x16xi32, #tpu.memory_space<vmem>>, vector<32x16xi32>
    %reduce_max3A = vector.shape_cast %get3A_19 : vector<32x16xf32> to vector<1x32x16xf32>
    %reduce_max3A_23 = arith.constant dense<0xFF800000> : vector<1xf32>
    %reduce_max3A_24 = vector.multi_reduction <maximumf>, %reduce_max3A, %reduce_max3A_23 [1, 2] : vector<1x32x16xf32> to vector<1xf32>
    %reduce_max3A_25 = vector.shape_cast %reduce_max3A_24 : vector<1xf32> to vector<1x1x1xf32>
    %reduce_max3A_26 = vector.extract %reduce_max3A_25[0, 0, 0] : f32 from vector<1x1x1xf32>
    %eq3A_27 = vector.broadcast %reduce_max3A_26 : f32 to vector<32x16xf32>
    %eq3A_28 = arith.cmpf oeq, %get3A_19, %eq3A_27 : vector<32x16xf32>
    %jit3A_29 = arith.constant 2147483647 : i32
    %broadcast_in_dim3A_30 = vector.broadcast %jit3A_29 : i32 to vector<32x16xi32>
    %select_n3A_31 = arith.select %eq3A_28, %get3A_22, %broadcast_in_dim3A_30 : vector<32x16xi1>, vector<32x16xi32>
    %reduce_min3A_32 = vector.shape_cast %select_n3A_31 : vector<32x16xi32> to vector<1x32x16xi32>
    %reduce_min3A_33 = arith.constant dense<2147483647> : vector<1xi32>
    %reduce_min3A_34 = vector.multi_reduction <minsi>, %reduce_min3A_32, %reduce_min3A_33 [1, 2] : vector<1x32x16xi32> to vector<1xi32>
    %reduce_min3A_35 = vector.shape_cast %reduce_min3A_34 : vector<1xi32> to vector<1x1x1xi32>
    %reduce_min3A_36 = vector.extract %reduce_min3A_35[0, 0, 0] : i32 from vector<1x1x1xi32>
    %gt3A = arith.cmpf ogt, %get3A_3, %reduce_max3A_26 : f32
    %select_n3A_37 = arith.select %gt3A, %add3A_16, %reduce_min3A_36 : i32
    %swap3A = arith.constant 0 : index
    %swap3A_38 = memref.load %arg6[%swap3A] : memref<1xi32, #tpu.memory_space<smem>>
    memref.store %select_n3A_37, %arg6[%swap3A] : memref<1xi32, #tpu.memory_space<smem>>
    return
  }
  func.func @transform_0(%arg0: i32, %arg1: memref<1xi32, #tpu.memory_space<smem>>) -> (i32, i32) {
    %get3A = arith.constant 0 : index
    %get3A_0 = memref.load %arg1[%get3A] : memref<1xi32, #tpu.memory_space<smem>>
    %c0_i32 = arith.constant 0 : i32
    %c0_i32_1 = arith.constant 0 : i32
    return %get3A_0, %c0_i32 : i32, i32
  }
  func.func @transform_1(%arg0: i32, %arg1: memref<1xi32, #tpu.memory_space<smem>>) -> i32 {
    %c0_i32 = arith.constant 0 : i32
    %c0_i32_0 = arith.constant 0 : i32
    return %c0_i32 : i32
  }
  func.func @transform_2(%arg0: i32, %arg1: memref<1xi32, #tpu.memory_space<smem>>) -> (i32, i32) {
    %c0_i32 = arith.constant 0 : i32
    %c0_i32_0 = arith.constant 0 : i32
    %c0_i32_1 = arith.constant 0 : i32
    return %c0_i32, %c0_i32_0 : i32, i32
  }
  func.func @transform_3(%arg0: i32, %arg1: memref<1xi32, #tpu.memory_space<smem>>) -> (i32, i32) {
    %c0_i32 = arith.constant 0 : i32
    %c0_i32_0 = arith.constant 0 : i32
    %c0_i32_1 = arith.constant 0 : i32
    return %c0_i32, %c0_i32_0 : i32, i32
  }
  func.func @transform_4(%arg0: i32, %arg1: memref<1xi32, #tpu.memory_space<smem>>) -> i32 {
    %c0_i32 = arith.constant 0 : i32
    %c0_i32_0 = arith.constant 0 : i32
    return %c0_i32 : i32
  }
}

</mosaic_0001>

<sc_bundles>
// kernel: kernel.5.cloned.1.call-start
scs
__scs_entry_jumppad:
0x0: {  	(pc) =	sbr.rel $0x88, $3  }
0x1: {  	(tag) =	ssettag $0x0;
	lr =	simm.s32 $0x1  }
0x2: {  	[smem:$0x3FA0] =	sst lr;
	_ =	strace $0xD0000000  }
0x3: {  	_ = 	snop  }
0x4: {  	_ = 	snop  }
0x5: {  	_ = 	snop  }
0x6: {  	_ = 	snop  }
0x7: {  	_ = 	snop  }
__scs_overlays_trampoline_lowered:
0x8: {  	[smem:$0x3FAF] =	sst s0  }
0x9: {  	[smem:$0x3FB0] =	sst s1  }
0xa: {  	[smem:$0x3FB1] =	sst s2  }
0xb: {  	[smem:$0x3FB2] =	sst s3  }
0xc: {  	[smem:$0x3FB3] =	sst s4  }
0xd: {  	[smem:$0x3FB4] =	sst s5  }
0xe: {  	[smem:$0x3FB5] =	sst s6  }
0xf: {  	[smem:$0x3FB6] =	sst s7  }
0x10: {  	[smem:$0x3FB7] =	sst s8  }
0x11: {  	[smem:$0x3FB8] =	sst s9;
	s0 =	simm.s32 @!p0 $0x0  }
0x12: {  	s1 =	sld [smem:$0x3F9E];
	s0 =	simm.s32 @p0 $0x1  }
0x13: {  	[smem:$0x3FB9] =	sst s0;
	s0 =	simm.s32 @!p1 $0x0  }
0x14: {  	s2 =	sld [smem:$0x3F9D];
	s0 =	simm.s32 @p1 $0x1  }
0x15: {  	[smem:$0x3FBA] =	sst s0;
	s0 =	simm.s32 @!p2 $0x0  }
0x16: {  	s3 =	sld [smem:$0x3FDB];
	s0 =	simm.s32 @p2 $0x1  }
0x17: {  	s4 =	simm.s32 $0x1BF5;
	[smem:$0x3FBC] =	sst s0  }
0x18: {  	s0 =	sld [smem:$0x3F9F];
	_ =	swait.ge [sflag:s4], $0x0  }
0x19: {  	s7 =	sld [smem:$0x3FA0]  }
0x1a: {  	s8 =	sadd.s32 $0xFFFFE003, lr  }
0x1b: {  	s9 =	sadd.s32 $0xFFFFFEF7, lr;
	s5 =	simm.s32 $0xFFFFFFFF;
	p2 =	slt.u32 s8, $0xFFFFF086  }
0x1c: {  	p1 =	slt.u32 s9, $0xF7A;
	s5 =	simm.s32 @!p2 $0x0  }
0x1d: {  	s5 =	simm.s32 @p1 $0x1;
	p0 =	seq.s32 s7, s2  }
0x1e: {  	s7 =	smul.u32 @!p0 $0xF7A, s2;
	p2 =	seq.s32 @!p0 s5, $0x0  }
0x1f: {  	s9 =	smul.u32 $0xF7A, s1;
	s8 =	simm.s32 @!p0 $0x1BF5;
	p2 =	por !p2, p0  }
0x20: {  	[sflag:s8] =	ssyncset.s32 @!p0 $0xFFFFF086;
	s6 =	sadd.s32 @!p0 s3, s7;
	s7 =	simm.s32 @!p0 $0x108  }
0x21: {  	s3 =	sadd.s32 s3, s9;
	s6 =	sadd.s32 @!p0 $0x88, s6;
	s7 =	simm.s32 @p2 $0x1082  }
0x22: {  	[simem:s7], [sflag:s8] =	dma.local @!p0 [hbm:s6], $0xF7A  }
0x23: {  	s9 =	sor.u32 $0xD0000000, s2;
	s6 =	simm.s32 $0x108;
	_ =	swait.ge @!p0 [sflag:s8], $0x0  }
0x24: {  	s3 =	sadd.s32 $0x88, s3;
	s6 =	simm.s32 @!p1 $0x1082;
	[sflag:s4] =	ssyncset.s32 $0xFFFFF086  }
0x25: {  	[simem:s6], [sflag:s4] =	dma.local [hbm:s3], $0xF7A  }
0x26: {  	[smem:$0x3FA0] =	sst s1;
	(tag) =	ssettag s2;
	_ =	strace s9  }
0x27: {  	s1 =	sld [smem:$0x3FB0]  }
0x28: {  	s2 =	sld [smem:$0x3FB1]  }
0x29: {  	s4 =	sld [smem:$0x3FB3]  }
0x2a: {  	p0 =	seq.s32 s5, $0x0;
	s5 =	sld [smem:$0x3FB4]  }
0x2b: {  	s6 =	sld [smem:$0x3FB5]  }
0x2c: {  	s7 =	sld [smem:$0x3FB6]  }
0x2d: {  	s3 =	simm.s32 $0x108;
	s8 =	sld [smem:$0x3FB7]  }
0x2e: {  	s3 =	simm.s32 @!p0 $0x1082;
	s9 =	sld [smem:$0x3FB8]  }
0x2f: {  	lr =	sadd.s32 s0, s3;
	s0 =	sld [smem:$0x3FAF]  }
0x30: {  	s3 =	sld [smem:$0x3FB2]  }
0x31: {  	[smem:$0x3FBB] =	sst s10  }
0x32: {  	s10 =	sld [smem:$0x3FB9];
	_ =	sdelay $0x3  }
0x33: {  	p0 =	seq.s32 s10, $0x1;
	s10 =	sld [smem:$0x3FBB];
	_ =	sdelay $0x3  }
0x34: {  	[smem:$0x3FBB] =	sst s10  }
0x35: {  	s10 =	sld [smem:$0x3FBA];
	_ =	sdelay $0x3  }
0x36: {  	p1 =	seq.s32 s10, $0x1;
	s10 =	sld [smem:$0x3FBB];
	_ =	sdelay $0x3  }
0x37: {  	[smem:$0x3FBB] =	sst s10  }
0x38: {  	s10 =	sld [smem:$0x3FBC]  }
0x39: {  	_ = 	snop;
	(pc) =	sbr.ind lr, $3  }
0x3a: {  	_ = 	snop  }
0x3b: {  	_ = 	snop  }
0x3c: {  	p2 =	seq.s32 s10, $0x1;
	s10 =	sld [smem:$0x3FBB]  }
0x3d: {  	_ =	shalt  }
0x3e: {  	_ =	shalt  }
0x3f: {  	_ =	shalt  }
0x40: {  	_ =	shalt  }
0x41: {  	_ =	shalt  }
0x42: {  	_ =	shalt  }
0x43: {  	_ =	shalt  }
0x44: {  	_ =	shalt  }
0x45: {  	_ =	shalt  }
0x46: {  	_ =	shalt  }
0x47: {  	_ =	shalt  }
0x48: {  	_ =	shalt  }
0x49: {  	_ =	shalt  }
0x4a: {  	_ =	shalt  }
0x4b: {  	_ =	shalt  }
0x4c: {  	_ =	shalt  }
0x4d: {  	_ =	shalt  }
0x4e: {  	_ =	shalt  }
0x4f: {  	_ =	shalt  }
0x50: {  	_ =	shalt  }
0x51: {  	_ =	shalt  }
0x52: {  	_ =	shalt  }
0x53: {  	_ =	shalt  }
0x54: {  	_ =	shalt  }
0x55: {  	_ =	shalt  }
0x56: {  	_ =	shalt  }
0x57: {  	_ =	shalt  }
0x58: {  	_ =	shalt  }
0x59: {  	_ =	shalt  }
0x5a: {  	_ =	shalt  }
0x5b: {  	_ =	shalt  }
0x5c: {  	_ =	shalt  }
0x5d: {  	_ =	shalt  }
0x5e: {  	_ =	shalt  }
0x5f: {  	_ =	shalt  }
0x60: {  	_ =	shalt  }
0x61: {  	_ =	shalt  }
0x62: {  	_ =	shalt  }
0x63: {  	_ =	shalt  }
0x64: {  	_ =	shalt  }
0x65: {  	_ =	shalt  }
0x66: {  	_ =	shalt  }
0x67: {  	_ =	shalt  }
0x68: {  	_ =	shalt  }
0x69: {  	_ =	shalt  }
0x6a: {  	_ =	shalt  }
0x6b: {  	_ =	shalt  }
0x6c: {  	_ =	shalt  }
0x6d: {  	_ =	shalt  }
0x6e: {  	_ =	shalt  }
0x6f: {  	_ =	shalt  }
0x70: {  	_ =	shalt  }
0x71: {  	_ =	shalt  }
0x72: {  	_ =	shalt  }
0x73: {  	_ =	shalt  }
0x74: {  	_ =	shalt  }
0x75: {  	_ =	shalt  }
0x76: {  	_ =	shalt  }
0x77: {  	_ =	shalt  }
0x78: {  	_ =	shalt  }
0x79: {  	_ =	shalt  }
0x7a: {  	_ =	shalt  }
0x7b: {  	_ =	shalt  }
0x7c: {  	_ =	shalt  }
0x7d: {  	_ =	shalt  }
0x7e: {  	_ =	shalt  }
0x7f: {  	_ =	shalt  }
0x80: {  	_ =	shalt  }
0x81: {  	_ =	shalt  }
0x82: {  	_ =	shalt  }
0x83: {  	_ =	shalt  }
0x84: {  	_ =	shalt  }
0x85: {  	_ =	shalt  }
0x86: {  	_ =	shalt  }
0x87: {  	_ =	shalt  }
.Lfunc_end0:
.L_simem_size_0:
called_computation_lowered:
.L_overlay_start_0:
0x88: {  	s2 =	sld [smem:$0x3FD9]  }
0x89: {  	s3 =	sld [smem:$0x3FFE];
	_ =	sdelay $0x1  }
0x8a: {  	s1 =	srdreg.scid  }
0x8b: {  	s0 =	sand.u32 $0x1, s1  }
0x8c: {  	s17 =	sshll.u32 s0, $0xA;
	s2 =	sadd.s32 s3, s2  }
0x8d: {  	s2 =	sadd.s32 s2, s17  }
0x8e: {  	[smem:$0x3FC7] =	sst s2  }
0x8f: {  	_ = 	snop  }
0x90: {  	s2 =	sld [smem:$0x3FC9];
	(tm) =	ssettm $0x1  }
0x91: {  	s18 =	sld [smem:$0x3FFB];
	_ =	sdelay $0x3  }
0x92: {  	_ =	strace s18  }
0x93: {  	s3 =	sld [smem:$0x3FFC];
	_ =	sdelay $0x3  }
0x94: {  	_ =	strace s3  }
0x95: {  	s3 =	sld [smem:$0x3FFD];
	_ =	sdelay $0x3  }
0x96: {  	_ =	strace s3  }
0x97: {  	_ =	strace $0x8FFFFFFF  }
0x98: {  	s19 =	sld [smem:$0x3FDB];
	_ =	sdelay $0x1  }
0x99: {  	s4 =	simm.s32 $_scs_section_size  }
0x9a: {  	s5 =	simm.s32 $_size__tile_overlayer_lowered;
	s6 =	simm.s32 $_tile_overlayer_lowered  }
0x9b: {  	s22 =	simm.s32 $0x1BFF;
	s21 =	sshll.u32 s6, $0x1;
	s3 =	sadd.s32 s4, s19  }
0x9c: {  	s7 =	simm.s32 $0x0;
	s20 =	sshll.u32 s5, $0x1;
	s5 =	sadd.s32 s21, s3  }
0x9d: {  	[timem:s7], [sflag:s22] =	dma.local [hbm:s5], s20  }
0x9e: {  	_ =	swait.ge [sflag:s22], s20  }
0x9f: {  	s4 =	ssub.s32 $0x0, s20;
	[sflag:s22] =	ssyncset.done $0x0  }
0xa0: {  	[sflag:s22] =	ssyncadd.s32 s4;
	_ =	sdelay $0x1  }
0xa1: {  	s23 =	simm.s32 $0x1B8B  }
0xa2: {  	_ =	swait.ge [sflag:s23], $0x1  }
0xa3: {  	[sflag:s23] =	ssyncset.done $0x0  }
0xa4: {  	s25 =	simm.s32 $0x1B8E;
	s24 =	sld [smem:$0x3FFE];
	[sflag:s23] =	ssyncadd.s32 $0xFFFFFFFF  }
0xa5: {  	s26 =	simm.s32 $execute0_lowered;
	[smem:$0x3FD2] =	sst s25  }
0xa6: {  	s5 =	sshll.u32 s26, $0x1;
	_ =	strace $0x80000046;
	[dreg:$0x1] =	wrdreg $0xFFFFFFFF  }
0xa7: {  	s28 =	simm.s32 $_size_execute0_lowered;
	s3 =	sadd.s32 s3, s5;
	[dreg:$0x0] =	wrdreg $0x0  }
0xa8: {  	s5 =	sshll.u32 s28, $0x1;
	[dreg:$0x2] =	wrdreg s3  }
0xa9: {  	[dreg:$0x3] =	wrdreg s5  }
0xaa: {  	[dreg:$0x4] =	wrdreg $0xC0  }
0xab: {  	_ =	task [dreg:s7], $0x5FFFF  }
0xac: {  	[dreg:$0x1] =	wrdreg $0xFFFFFFFF  }
0xad: {  	[dreg:$0x0] =	wrdreg $0x60  }
0xae: {  	[dreg:$0x2] =	wrdreg s2  }
0xaf: {  	[dreg:$0x3] =	wrdreg s24  }
0xb0: {  	[dreg:$0x4] =	wrdreg $0x9  }
0xb1: {  	_ =	task.clear_ibuf [dreg:s7], $0x5FFFF;
	_ =	strace $0x90000046  }
0xb2: {  	s29 =	simm.s32 $0x9;
	_ =	strace $0x80000048  }
0xb3: {  	_ =	swait.ge [sflag:s29], $0x1  }
0xb4: {  	[sflag:s29] =	ssyncadd.s32 $0xFFFFFFFF  }
0xb5: {  	_ =	strace $0x90000048  }
0xb6: {  	_ =	sfence  }
0xb7: {  	s30 =	sld [smem:$0x0];
	_ =	sdelay $0x2  }
0xb8: {  	s31 =	sshll.u32 s1, $0xD;
	s1 =	sshrl.u32 s1, $0x2  }
0xb9: {  	s3 =	sand.u32 $0x4000, s31;
	s1 =	sadd.s32 s1, s30  }
0xba: {  	s0 =	sor.u32 s3, s0;
	s1 =	sshll.u32 s1, $0x11  }
0xbb: {  	s0 =	sor.u32 s1, s0  }
0xbc: {  	s0 =	sadd.s32 $0x8F2B, s0  }
0xbd: {  	[sflag:s0] =	ssyncadd.remote.s32 $0x1  }
0xbe: {  	_ =	sfence.sel $0xFFFF  }
0xbf: {  	[dreg:$0x0] =	wrdreg $0xFFFFFFFF;
	(pc) =	sbr.abs _section_cstart, $3  }
0xc0: {  	[dreg:$0x1] =	wrdreg $0xFFFFFFFF  }
0xc1: {  	_ =	task.clear_ibuf [dreg:s7], $0x2FFFF;
	_ =	strace $0x9FFFFFFF  }
0xc2: {  	(tm) =	ssettm $0x7FFFFFFF  }
0xc3: {  	_ =	shalt  }
tec
execute0_lowered:
.L_overlay_start_1:
0x0: {  	(tag) =	ssettag $0x1  }
0x1: {  	s2 =	rddreg [dreg:$0x0]  }
0x2: {  	s4 =	srdreg.scid;
	s5 =	rddreg [dreg:$0x1]  }
0x3: {  	s0 =	stileid.u32;
	s1 =	rddreg [dreg:$0x2];
	s3 =	simm.s32 $0x0  }
0x4: {  	s11 =	simm.s32 $0x2;
	s12 =	simm.s32 $0x4000;
	s13 =	simm.s32 $0x3  }
0x5: {  	s14 =	simm.s32 $0x4080;
	s15 =	simm.s32 $0x0;
	s6 =	sand.u32 $0x1, s4  }
0x6: {  	s7 =	sshll.u32 s0, $0x1;
	[smem:$0x7FF] =	sst s3;
	s9 =	sshll.u32 s0, $0xF  }
0x7: {  	s4 =	sshll.u32 s4, $0x11;
	s25 =	sshll.u32 s0, $0x7;
	s7 =	sor.u32 s6, s7  }
0x8: {  	_ =	strace $0x80000047;
	s24 =	sand.u32 $0x40000, s9;
	s10 =	sshll.u32 s6, $0x11  }
0x9: {  	s4 =	sand.u32 $0x20000, s4;
	s9 =	sand.u32 $0x380, s25;
	s6 =	ssub.s32 $0x2, s6  }
0xa: {  	s8 =	sshll.u32 s7, $0x4;
	s10 =	sor.u32 s24, s10;
	s4 =	sor.u32 s4, s24  }
0xb: {  	s28 =	sshrl.u32 s6, $0x1;
	s8 =	sadd.s32 s8, s5;
	s26 =	sor.u32 s9, s10  }
0xc: {  	s4 =	sor.u32 s9, s4;
	s29 =	ssub.s32 s6, s28;
	s10 =	simm.s32 $0x1  }
0xd: {  	s5 =	sor.u32 $0x10000, s26;
	s30 =	sshrl.u32 s4, $0x3;
	s4 =	sshll.u32 s7, $0xE  }
0xe: {  	s7 =	sadd.s32 $0x1000, s8;
	s8 =	sadd.s32 $0x1200, s8;
	s31 =	sshrl.u32 s5, $0x3  }
0xf: {  	v0 =	vimm.s32 $0x0;
	s9 =	smax.u32 s29, $0x1;
	s5 =	sadd.s32 s2, s30;
	s6 =	sadd.s32 s2, s31  }
.LBB2_1:
0x10: {  	s16 =	simm.s32 $0x80  }
0x11: {  	s19 =	sadd.s32 $0x0, s5;
	s17 =	simm.s32 $0x100;
	s18 =	simm.s32 $0x0  }
.LBB2_2:
0x12: {  	[tilespmem:s18], [sflag:$0x1] =	stream.linear.gather [hbm4b:s19+s3], $0x80, $0x38;
	[tilespmem:$0x4100] =	vst v63  }
0x13: {  	s19 =	smov.u32 s16;
	s18 =	smov.u32 s17;
	p0 =	sne.s32 s16, $0x1F80  }
.Ltmp0:
0x14: {  	s16 =	sadd.s32 $0x80, s16;
	(pc) =	sbr.rel @p0 .LBB2_2-.Ltmp0, $2  }
0x15: {  	_ =	sdelay $0x2  }
0x16: {  	s17 =	sadd.s32 $0x100, s17;
	s19 =	sadd.s32 s19, s5  }
0x17: {  	[tilespmem:s18], [sflag:$0x1] =	stream.linear.gather [hbm4b:s19+s3], $0x80, $0x38;
	[tilespmem:$0x4100] =	vst v63  }
0x18: {  	s16 =	simm.s32 $0x80  }
0x19: {  	s17 =	simm.s32 $0x80;
	s19 =	sadd.s32 $0x0, s6;
	s18 =	simm.s32 $0x180  }
.LBB2_4:
0x1a: {  	[tilespmem:s16], [sflag:$0x2] =	stream.linear.gather [hbm4b:s19+s3], $0x80, $0x38;
	[tilespmem:$0x4100] =	vst v63  }
0x1b: {  	s19 =	smov.u32 s17;
	s16 =	smov.u32 s18;
	p0 =	sne.s32 s17, $0x1F80  }
.Ltmp1:
0x1c: {  	s17 =	sadd.s32 $0x80, s17;
	(pc) =	sbr.rel @p0 .LBB2_4-.Ltmp1, $2  }
0x1d: {  	_ =	sdelay $0x2  }
0x1e: {  	s18 =	sadd.s32 $0x100, s18;
	s19 =	sadd.s32 s19, s6  }
0x1f: {  	[tilespmem:s16], [sflag:$0x2] =	stream.linear.gather [hbm4b:s19+s3], $0x80, $0x38;
	[tilespmem:$0x4100] =	vst v63  }
0x20: {  	_ =	swait.ge [sflag:s10], $0x2000  }
0x21: {  	[sflag:s10] =	ssyncset.done $0x0  }
0x22: {  	s16 =	simm.s32 $0x0;
	[sflag:s10] =	ssyncadd.s32 $0xFFFFE000  }
0x23: {  	v2 =	vld [tilespmem:s16+$0x100]  }
0x24: {  	v13 =	vld [tilespmem:s16+$0x110]  }
0x25: {  	v7 =	vld [tilespmem:s16+$0x120]  }
0x26: {  	v11 =	vld [tilespmem:s16+$0x130]  }
0x27: {  	v14 =	vld [tilespmem:s16+$0x140]  }
0x28: {  	v4 =	vld [tilespmem:s16+$0x150]  }
0x29: {  	v6 =	vld [tilespmem:s16+$0x160]  }
0x2a: {  	v26 =	vld [tilespmem:s16+$0x0]  }
0x2b: {  	v27 =	vld [tilespmem:s16+$0x10]  }
0x2c: {  	v23 =	vld [tilespmem:s16+$0x20]  }
0x2d: {  	v24 =	vld [tilespmem:s16+$0x30]  }
0x2e: {  	v1 =	vimm.f32 $-Inf;
	v8 =	vimm.f32 $-Inf;
	v25 =	vld [tilespmem:s16+$0x40]  }
0x2f: {  	v15 =	vimm.f32 $-Inf;
	v20 =	vimm.f32 $-Inf;
	v19 =	vimm.f32 $-Inf;
	v21 =	vld [tilespmem:s16+$0x50]  }
0x30: {  	s17 =	simm.s32 $0x800;
	v17 =	vimm.f32 $-Inf;
	v18 =	vimm.f32 $-Inf;
	v16 =	vimm.f32 $-Inf;
	v22 =	vld [tilespmem:s16+$0x60]  }
.LBB2_6:
0x31: {  	p0 =	sne.s32 s17, $0xF800;
	v3 =	vld [tilespmem:s16+$0x70]  }
0x32: {  	v1 =	vmax.f32 v1, v26;
	v5 =	vmax.f32 v8, v27;
	v9 =	vld [tilespmem:s16+$0x170];
	s16 =	sshra.s32 s17, $0x2  }
0x33: {  	v1 =	vmax.f32 v1, v2;
	v8 =	vmax.f32 v5, v13;
	v2 =	vld [tilespmem:s16+$0x100]  }
0x34: {  	v5 =	vmax.f32 v15, v23;
	v10 =	vmax.f32 v20, v24;
	v12 =	vmax.f32 v19, v25;
	v13 =	vld [tilespmem:s16+$0x110]  }
0x35: {  	v15 =	vmax.f32 v5, v7;
	v20 =	vmax.f32 v10, v11;
	v19 =	vmax.f32 v12, v14;
	v7 =	vld [tilespmem:s16+$0x120]  }
0x36: {  	v5 =	vmax.f32 v17, v21;
	v10 =	vmax.f32 v18, v22;
	v11 =	vld [tilespmem:s16+$0x130];
	v3 =	vmax.f32 v16, v3  }
0x37: {  	v17 =	vmax.f32 v5, v4;
	v18 =	vmax.f32 v10, v6;
	v14 =	vld [tilespmem:s16+$0x140];
	v16 =	vmax.f32 v3, v9  }
0x38: {  	v4 =	vld [tilespmem:s16+$0x150]  }
0x39: {  	v6 =	vld [tilespmem:s16+$0x160]  }
0x3a: {  	v26 =	vld [tilespmem:s16+$0x0]  }
0x3b: {  	v27 =	vld [tilespmem:s16+$0x10]  }
.Ltmp2:
0x3c: {  	v23 =	vld [tilespmem:s16+$0x20];
	(pc) =	sbr.rel @p0 .LBB2_6-.Ltmp2, $4  }
0x3d: {  	v24 =	vld [tilespmem:s16+$0x30]  }
0x3e: {  	v25 =	vld [tilespmem:s16+$0x40]  }
0x3f: {  	v21 =	vld [tilespmem:s16+$0x50]  }
0x40: {  	s17 =	sadd.s32 $0x800, s17;
	v22 =	vld [tilespmem:s16+$0x60]  }
0x41: {  	v28 =	vld [tilespmem:s16+$0x70]  }
0x42: {  	v30 =	vld [tilespmem:s16+$0x170];
	_ =	swait.ge [sflag:s11], $0x2000  }
0x43: {  	[sflag:s11] =	ssyncset.done $0x0  }
0x44: {  	s16 =	simm.s32 $0x0;
	[sflag:s11] =	ssyncadd.s32 $0xFFFFE000  }
0x45: {  	v9 =	vld [tilespmem:s16+$0x180]  }
0x46: {  	v10 =	vld [tilespmem:s16+$0x190]  }
0x47: {  	v3 =	vld [tilespmem:s16+$0x1A0]  }
0x48: {  	v5 =	vld [tilespmem:s16+$0x1B0]  }
0x49: {  	v12 =	vld [tilespmem:s16+$0x1C0]  }
0x4a: {  	v26 =	vmax.f32 v1, v26;
	v1 =	vld [tilespmem:s16+$0x1D0]  }
0x4b: {  	v27 =	vmax.f32 v8, v27;
	v8 =	vmax.f32 v26, v2;
	v2 =	vld [tilespmem:s16+$0x1E0]  }
0x4c: {  	v15 =	vmax.f32 v15, v23;
	v23 =	vimm.f32 $-Inf;
	v13 =	vmax.f32 v27, v13;
	v27 =	vld [tilespmem:s16+$0x80]  }
0x4d: {  	v20 =	vmax.f32 v20, v24;
	v15 =	vmax.f32 v15, v7;
	v19 =	vmax.f32 v19, v25;
	v29 =	vld [tilespmem:s16+$0x90]  }
0x4e: {  	v11 =	vmax.f32 v20, v11;
	v20 =	vimm.f32 $-Inf;
	v7 =	vmax.f32 v19, v14;
	v26 =	vld [tilespmem:s16+$0xA0]  }
0x4f: {  	v14 =	vmax.f32 v17, v21;
	v24 =	vld [tilespmem:s16+$0xD0];
	v19 =	vimm.f32 $-Inf;
	v21 =	vimm.f32 $-Inf  }
0x50: {  	v17 =	vmax.f32 v18, v22;
	v14 =	vmax.f32 v14, v4;
	v16 =	vmax.f32 v16, v28;
	v28 =	vld [tilespmem:s16+$0xB0]  }
0x51: {  	v22 =	vimm.f32 $-Inf;
	v18 =	vimm.f32 $-Inf;
	v4 =	vmax.f32 v16, v30;
	v30 =	vld [tilespmem:s16+$0xC0]  }
0x52: {  	s17 =	simm.s32 $0x800;
	v25 =	vld [tilespmem:s16+$0xE0];
	v6 =	vmax.f32 v17, v6;
	v17 =	vimm.f32 $-Inf;
	v16 =	vimm.f32 $-Inf  }
.LBB2_8:
0x53: {  	p0 =	sne.s32 s17, $0xF800;
	v31 =	vld [tilespmem:s16+$0xF0]  }
0x54: {  	v22 =	vmax.f32 v22, v27;
	v23 =	vmax.f32 v23, v29;
	v27 =	vld [tilespmem:s16+$0x1F0];
	s16 =	sshra.s32 s17, $0x2  }
0x55: {  	v22 =	vmax.f32 v22, v9;
	v23 =	vmax.f32 v23, v10;
	v9 =	vld [tilespmem:s16+$0x180]  }
0x56: {  	v19 =	vmax.f32 v19, v26;
	v20 =	vmax.f32 v20, v28;
	v21 =	vmax.f32 v21, v30;
	v10 =	vld [tilespmem:s16+$0x190]  }
0x57: {  	v19 =	vmax.f32 v19, v3;
	v20 =	vmax.f32 v20, v5;
	v21 =	vmax.f32 v21, v12;
	v3 =	vld [tilespmem:s16+$0x1A0]  }
0x58: {  	v18 =	vmax.f32 v18, v24;
	v17 =	vmax.f32 v17, v25;
	v5 =	vld [tilespmem:s16+$0x1B0];
	v16 =	vmax.f32 v16, v31  }
0x59: {  	v18 =	vmax.f32 v18, v1;
	v17 =	vmax.f32 v17, v2;
	v12 =	vld [tilespmem:s16+$0x1C0];
	v16 =	vmax.f32 v16, v27  }
0x5a: {  	v1 =	vld [tilespmem:s16+$0x1D0]  }
0x5b: {  	v2 =	vld [tilespmem:s16+$0x1E0]  }
0x5c: {  	v27 =	vld [tilespmem:s16+$0x80]  }
0x5d: {  	v29 =	vld [tilespmem:s16+$0x90]  }
.Ltmp3:
0x5e: {  	v26 =	vld [tilespmem:s16+$0xA0];
	(pc) =	sbr.rel @p0 .LBB2_8-.Ltmp3, $4  }
0x5f: {  	v28 =	vld [tilespmem:s16+$0xB0]  }
0x60: {  	v30 =	vld [tilespmem:s16+$0xC0]  }
0x61: {  	v24 =	vld [tilespmem:s16+$0xD0]  }
0x62: {  	s17 =	sadd.s32 $0x800, s17;
	v25 =	vld [tilespmem:s16+$0xE0]  }
0x63: {  	v22 =	vmax.f32 v22, v27;
	v23 =	vmax.f32 v23, v29;
	v19 =	vmax.f32 v19, v26  }
0x64: {  	v8 =	vmax.f32 v8, v13;
	v9 =	vmax.f32 v22, v9;
	v10 =	vmax.f32 v23, v10  }
0x65: {  	v58 =	vld [tilespmem:s16+$0xF0];
	v20 =	vmax.f32 v20, v28;
	v3 =	vmax.f32 v19, v3;
	v8 =	vmax.f32 v8, v15  }
0x66: {  	v21 =	vmax.f32 v21, v30;
	v5 =	vmax.f32 v20, v5;
	v8 =	vmax.f32 v8, v11  }
0x67: {  	v59 =	vld [tilespmem:s16+$0x1F0];
	v9 =	vmax.f32 v9, v10;
	v12 =	vmax.f32 v21, v12;
	v60 =	vmax.f32 v18, v24  }
0x68: {  	v7 =	vmax.f32 v8, v7;
	v3 =	vmax.f32 v9, v3;
	v61 =	vmax.f32 v17, v25  }
0x69: {  	v7 =	vmax.f32 v7, v14;
	v3 =	vmax.f32 v3, v5;
	v1 =	vmax.f32 v60, v1  }
0x6a: {  	v62 =	vmax.f32 v16, v58;
	v63 =	vmax.f32 v7, v6;
	v3 =	vmax.f32 v3, v12  }
0x6b: {  	v2 =	vmax.f32 v61, v2;
	v4 =	vmax.f32 v63, v4;
	v1 =	vmax.f32 v3, v1  }
0x6c: {  	v3 =	vmax.f32 v62, v59;
	vm0 =	vgt.f32 v4, $-Inf;
	v1 =	vmax.f32 v1, v2  }
0x6d: {  	v2 =	vnsel vm0, $0xFF800000, v4;
	v1 =	vmax.f32 v1, v3  }
0x6e: {  	vm0 =	vgt.f32 v1, v2  }
0x6f: {  	v2 =	vsel vm0, v1, v2  }
0x70: {  	v1 =	vsel vm0, $0x1, v0;
	(v2sf) =	vpush v2, $0x0  }
0x71: {  	(v2sf) =	vpush v1, $0x0;
	_ =	sdelay $0x1  }
0x72: {  	(v2sf) =	vpush v2, $0x1  }
0x73: {  	(v2sf) =	vpush v1, $0x1;
	_ =	sdelay $0x4  }
0x74: {  	(v2sf) =	vpush v2, $0x2  }
0x75: {  	(v2sf) =	vpush v1, $0x2;
	_ =	sdelay $0x4  }
0x76: {  	s16 =	spop (v2sf);
	(v2sf) =	vpush v2, $0x3  }
0x77: {  	s17 =	spop (v2sf);
	(v2sf) =	vpush v1, $0x3;
	_ =	sdelay $0x1  }
0x78: {  	s18 =	spop (v2sf)  }
0x79: {  	s19 =	spop (v2sf);
	p0 =	seq.f32 s18, s16  }
0x7a: {  	p1 =	slt.u32 s19, s17  }
0x7b: {  	(v2sf) =	vpush v2, $0x4;
	p2 =	sgt.f32 s18, s16;
	p0 =	por !p0, !p1  }
0x7c: {  	p0 =	por !p0, !p0  }
0x7d: {  	p0 =	por p2, p0  }
0x7e: {  	(v2sf) =	vpush v1, $0x4;
	s16 =	smov.u32 @p0 s18;
	s18 =	spop (v2sf)  }
0x7f: {  	s17 =	smov.u32 @p0 s19;
	s19 =	spop (v2sf);
	p4 =	seq.f32 s18, s16  }
0x80: {  	p5 =	slt.u32 s19, s17  }
0x81: {  	p6 =	sgt.f32 s18, s16;
	p0 =	por !p4, !p5  }
0x82: {  	p0 =	por !p0, !p0  }
0x83: {  	(v2sf) =	vpush v2, $0x5;
	p0 =	por p6, p0  }
0x84: {  	(v2sf) =	vpush v1, $0x5;
	s16 =	smov.u32 @p0 s18;
	s18 =	spop (v2sf)  }
0x85: {  	s17 =	smov.u32 @p0 s19;
	s19 =	spop (v2sf);
	p1 =	seq.f32 s18, s16  }
0x86: {  	p2 =	slt.u32 s19, s17  }
0x87: {  	p3 =	sgt.f32 s18, s16;
	p0 =	por !p1, !p2  }
0x88: {  	p0 =	por !p0, !p0  }
0x89: {  	(v2sf) =	vpush v2, $0x6;
	p0 =	por p3, p0  }
0x8a: {  	s16 =	smov.u32 @p0 s18;
	s18 =	spop (v2sf);
	(v2sf) =	vpush v1, $0x6;
	_ =	sdelay $0x2  }
0x8b: {  	s17 =	smov.u32 @p0 s19;
	s19 =	spop (v2sf);
	p4 =	seq.f32 s18, s16  }
0x8c: {  	p5 =	slt.u32 s19, s17  }
0x8d: {  	p6 =	sgt.f32 s18, s16;
	(v2sf) =	vpush v2, $0x7;
	p0 =	por !p4, !p5  }
0x8e: {  	p0 =	por !p0, !p0  }
0x8f: {  	p0 =	por p6, p0  }
0x90: {  	s16 =	smov.u32 @p0 s18;
	s18 =	spop (v2sf);
	(v2sf) =	vpush v1, $0x7  }
0x91: {  	s17 =	smov.u32 @p0 s19;
	s19 =	spop (v2sf);
	p1 =	seq.f32 s18, s16  }
0x92: {  	p2 =	slt.u32 s19, s17  }
0x93: {  	p3 =	sgt.f32 s18, s16;
	p0 =	por !p1, !p2  }
0x94: {  	p0 =	por !p0, !p0  }
0x95: {  	(v2sf) =	vpush v2, $0x8;
	p0 =	por p3, p0  }
0x96: {  	s16 =	smov.u32 @p0 s18;
	s18 =	spop (v2sf);
	(v2sf) =	vpush v1, $0x8  }
0x97: {  	s17 =	smov.u32 @p0 s19;
	p4 =	seq.f32 s18, s16;
	s19 =	spop (v2sf)  }
0x98: {  	p5 =	slt.s32 s19, s17  }
0x99: {  	p6 =	sgt.f32 s18, s16;
	p0 =	por !p4, !p5  }
0x9a: {  	p0 =	por !p0, !p0  }
0x9b: {  	(v2sf) =	vpush v2, $0x9;
	p0 =	por p6, p0  }
0x9c: {  	s16 =	smov.u32 @p0 s18;
	s18 =	spop (v2sf);
	(v2sf) =	vpush v1, $0x9;
	_ =	sdelay $0x2  }
0x9d: {  	s17 =	smov.u32 @p0 s19;
	s19 =	spop (v2sf);
	p1 =	seq.f32 s18, s16  }
0x9e: {  	p2 =	slt.s32 s19, s17  }
0x9f: {  	p3 =	sgt.f32 s18, s16;
	(v2sf) =	vpush v2, $0xA;
	p0 =	por !p1, !p2  }
0xa0: {  	p0 =	por !p0, !p0  }
0xa1: {  	p0 =	por p3, p0  }
0xa2: {  	s16 =	smov.u32 @p0 s18;
	s18 =	spop (v2sf);
	(v2sf) =	vpush v1, $0xA  }
0xa3: {  	s17 =	smov.u32 @p0 s19;
	s19 =	spop (v2sf);
	p4 =	seq.f32 s18, s16  }
0xa4: {  	p5 =	slt.s32 s19, s17  }
0xa5: {  	p6 =	sgt.f32 s18, s16;
	p0 =	por !p4, !p5  }
0xa6: {  	p0 =	por !p0, !p0  }
0xa7: {  	(v2sf) =	vpush v2, $0xB;
	p0 =	por p6, p0  }
0xa8: {  	s16 =	smov.u32 @p0 s18;
	s18 =	spop (v2sf);
	(v2sf) =	vpush v1, $0xB  }
0xa9: {  	s17 =	smov.u32 @p0 s19;
	p1 =	seq.f32 s18, s16;
	s19 =	spop (v2sf)  }
0xaa: {  	p2 =	slt.s32 s19, s17  }
0xab: {  	p3 =	sgt.f32 s18, s16;
	p0 =	por !p1, !p2  }
0xac: {  	p0 =	por !p0, !p0  }
0xad: {  	(v2sf) =	vpush v2, $0xC;
	p0 =	por p3, p0  }
0xae: {  	s16 =	smov.u32 @p0 s18;
	s18 =	spop (v2sf);
	(v2sf) =	vpush v1, $0xC;
	_ =	sdelay $0x2  }
0xaf: {  	s17 =	smov.u32 @p0 s19;
	s19 =	spop (v2sf);
	p4 =	seq.f32 s18, s16  }
0xb0: {  	p5 =	slt.s32 s19, s17  }
0xb1: {  	p6 =	sgt.f32 s18, s16;
	(v2sf) =	vpush v2, $0xD;
	p0 =	por !p4, !p5  }
0xb2: {  	(v2sf) =	vpush v1, $0xD;
	p0 =	por !p0, !p0  }
0xb3: {  	p0 =	por p6, p0  }
0xb4: {  	s16 =	smov.u32 @p0 s18;
	s18 =	spop (v2sf)  }
0xb5: {  	s17 =	smov.u32 @p0 s19;
	s19 =	spop (v2sf);
	p1 =	seq.f32 s18, s16  }
0xb6: {  	p2 =	slt.s32 s19, s17  }
0xb7: {  	(v2sf) =	vpush v2, $0xE;
	p3 =	sgt.f32 s18, s16;
	p0 =	por !p1, !p2  }
0xb8: {  	(v2sf) =	vpush v1, $0xE;
	p0 =	por !p0, !p0  }
0xb9: {  	p0 =	por p3, p0  }
0xba: {  	s16 =	smov.u32 @p0 s18;
	s18 =	spop (v2sf)  }
0xbb: {  	s17 =	smov.u32 @p0 s19;
	p4 =	seq.f32 s18, s16;
	s19 =	spop (v2sf)  }
0xbc: {  	p5 =	slt.s32 s19, s17  }
0xbd: {  	(v2sf) =	vpush v2, $0xF;
	p6 =	sgt.f32 s18, s16;
	p0 =	por !p4, !p5  }
0xbe: {  	(v2sf) =	vpush v1, $0xF;
	p0 =	por !p0, !p0  }
0xbf: {  	p0 =	por p6, p0  }
0xc0: {  	s20 =	spop (v2sf);
	s16 =	smov.u32 @p0 s18  }
0xc1: {  	s21 =	spop (v2sf);
	s17 =	smov.u32 @p0 s19;
	p1 =	seq.f32 s20, s16  }
0xc2: {  	p2 =	slt.s32 s21, s17  }
0xc3: {  	p3 =	sgt.f32 s20, s16;
	p0 =	por !p1, !p2  }
0xc4: {  	p0 =	por !p0, !p0  }
0xc5: {  	p0 =	por p3, p0  }
0xc6: {  	s19 =	spop (v2sf);
	s16 =	smov.u32 @p0 s20  }
0xc7: {  	s22 =	spop (v2sf);
	s17 =	smov.u32 @p0 s21;
	p4 =	seq.f32 s19, s16  }
0xc8: {  	p5 =	slt.s32 s22, s17  }
0xc9: {  	p6 =	sgt.f32 s19, s16;
	p0 =	por !p4, !p5  }
0xca: {  	p0 =	por !p0, !p0  }
0xcb: {  	p0 =	por p6, p0  }
0xcc: {  	s18 =	spop (v2sf);
	s16 =	smov.u32 @p0 s19  }
0xcd: {  	s17 =	smov.u32 @p0 s22;
	s19 =	spop (v2sf);
	p2 =	seq.f32 s18, s16  }
0xce: {  	p3 =	slt.s32 s19, s17  }
0xcf: {  	p4 =	sgt.f32 s18, s16;
	p0 =	por !p2, !p3  }
0xd0: {  	p0 =	por !p0, !p0  }
0xd1: {  	p0 =	por p4, p0  }
0xd2: {  	s17 =	smov.u32 @p0 s19  }
0xd3: {  	s17 =	sshll.u32 s17, $0xD  }
0xd4: {  	s17 =	sadd.s32 s4, s17  }
0xd5: {  	s29 =	sshra.s32 s17, $0x1F  }
0xd6: {  	s19 =	sshrl.u32 s29, $0x11  }
0xd7: {  	s19 =	sadd.s32 s19, s17  }
0xd8: {  	s30 =	sand.u32 $0xFFFF8000, s19  }
0xd9: {  	p5 =	slt.s32 s17, $0x1;
	p6 =	sne.s32 s17, s30  }
0xda: {  	p1 =	por !p5, !p6  }
0xdb: {  	s20 =	simm.s32 $0x1;
	p1 =	por !p1, !p1  }
0xdc: {  	s19 =	sshra.s32 s19, $0xF;
	s20 =	simm.s32 @!p1 $0x0  }
0xdd: {  	s31 =	sshll.u32 s17, $0x3;
	s19 =	ssub.s32 s19, s20  }
0xde: {  	s21 =	sadd.s32 $0x40000, s31;
	s20 =	sshll.u32 s19, $0xF  }
0xdf: {  	s21 =	sand.u32 $0x30000, s21;
	s19 =	sshll.u32 s19, $0x7;
	s20 =	sand.u32 $0xFFFC0000, s20  }
0xe0: {  	s19 =	sand.u32 $0x380, s19;
	s20 =	sor.u32 s21, s20  }
0xe1: {  	s19 =	sor.u32 s19, s20  }
0xe2: {  	s19 =	sshrl.u32 s19, $0x3  }
0xe3: {  	s22 =	simm.s32 $0x100;
	s19 =	sadd.s32 s2, s19  }
0xe4: {  	s21 =	simm.s32 $0x80;
	s20 =	simm.s32 $0x0;
	s23 =	sadd.s32 $0x0, s19  }
.LBB2_10:
0xe5: {  	[tilespmem:s20], [sflag:$0x1] =	stream.linear.gather [hbm4b:s23+s3], $0x80, $0x38;
	[tilespmem:$0x4100] =	vst v63  }
0xe6: {  	s23 =	smov.u32 s21;
	s20 =	smov.u32 s22;
	p1 =	sne.s32 s21, $0x1F80  }
.Ltmp4:
0xe7: {  	s21 =	sadd.s32 $0x80, s21;
	(pc) =	sbr.rel @p1 .LBB2_10-.Ltmp4, $2  }
0xe8: {  	_ =	sdelay $0x2  }
0xe9: {  	s22 =	sadd.s32 $0x100, s22;
	s23 =	sadd.s32 s23, s19  }
0xea: {  	[tilespmem:s20], [sflag:$0x1] =	stream.linear.gather [hbm4b:s23+s3], $0x80, $0x38;
	[tilespmem:$0x4100] =	vst v63  }
0xeb: {  	s19 =	simm.s32 $0x0;
	_ =	swait.ge [sflag:s10], $0x2000  }
0xec: {  	s29 =	sand.u32 $0x40, s19;
	s19 =	sand.u32 $0x3F00, s19;
	[sflag:s10] =	ssyncset.done $0x0  }
0xed: {  	s19 =	sor.u32 s29, s19;
	[sflag:s10] =	ssyncadd.s32 $0xFFFFE000  }
0xee: {  	v6 =	vld [tilespmem:s19+$0x0]  }
0xef: {  	v8 =	vld [tilespmem:s19+$0x10]  }
0xf0: {  	v9 =	vld [tilespmem:s19+$0x20]  }
0xf1: {  	v10 =	vld [tilespmem:s19+$0x30]  }
0xf2: {  	s16 =	smov.u32 @p0 s18;
	v3 =	vlaneseq.u32  }
0xf3: {  	s30 =	simm.s32 $0x40;
	v7 =	vimm.s32 $0x7FFFFFFF;
	v11 =	vimm.s32 $0x7FFFFFFF;
	v1 =	vmov s16;
	s16 =	simm.s32 $0x80  }
0xf4: {  	v5 =	vor.u32 $0x10, v3;
	v2 =	vor.u32 $0x20, v3;
	s18 =	sand.u32 $0x40, s30;
	s31 =	sand.u32 $0x3F00, s16;
	vm0 =	veq.f32 v6, v1  }
0xf5: {  	v4 =	vor.u32 $0x30, v3;
	s18 =	sor.u32 s18, s31;
	vm1 =	veq.f32 v8, v1;
	v13 =	vnsel vm0, $0x7FFFFFFF, v3  }
0xf6: {  	v6 =	vld [tilespmem:s18+$0x0];
	vm0 =	veq.f32 v9, v1;
	v12 =	vnsel vm1, $0x7FFFFFFF, v5;
	vm1 =	veq.f32 v10, v1  }
0xf7: {  	s19 =	simm.s32 $0x80;
	v8 =	vld [tilespmem:s18+$0x10];
	v10 =	vimm.s32 $0x7FFFFFFF;
	v9 =	vimm.s32 $0x7FFFFFFF;
	vm2 =	vlt.s32 v7, v13  }
.LBB2_12:
0xf8: {  	p0 =	sne.s32 s19, $0x1FC0;
	v14 =	vld [tilespmem:s18+$0x20];
	v7 =	vsel vm2, v7, v13;
	v13 =	vnsel vm0, $0x7FFFFFFF, v2;
	v15 =	vnsel vm1, $0x7FFFFFFF, v4  }
0xf9: {  	vm0 =	vlt.s32 v10, v12;
	v16 =	vld [tilespmem:s18+$0x30];
	vm1 =	vlt.s32 v11, v13;
	vm2 =	vlt.s32 v9, v15  }
.Ltmp5:
0xfa: {  	s16 =	sadd.s32 $0x80, s16;
	v10 =	vsel vm0, v10, v12;
	v11 =	vsel vm1, v11, v13;
	v9 =	vsel vm2, v9, v15;
	(pc) =	sbr.rel @p0 .LBB2_12-.Ltmp5, $4  }
0xfb: {  	v3 =	vadd.s32 $0x40, v3;
	v5 =	vadd.s32 $0x40, v5;
	s18 =	sand.u32 $0x40, s19;
	s20 =	sand.u32 $0x3F00, s16  }
0xfc: {  	v2 =	vadd.s32 $0x40, v2;
	v4 =	vadd.s32 $0x40, v4;
	s18 =	sor.u32 s18, s20;
	vm0 =	veq.f32 v6, v1  }
0xfd: {  	v13 =	vnsel vm0, $0x7FFFFFFF, v3;
	vm1 =	veq.f32 v8, v1;
	v6 =	vld [tilespmem:s18+$0x0];
	vm0 =	veq.f32 v14, v1  }
0xfe: {  	s19 =	sadd.s32 $0x40, s19;
	vm2 =	vlt.s32 v7, v13;
	v12 =	vnsel vm1, $0x7FFFFFFF, v5;
	v8 =	vld [tilespmem:s18+$0x10];
	vm1 =	veq.f32 v16, v1  }
0xff: {  	v7 =	vsel vm2, v7, v13;
	v61 =	vnsel vm0, $0x7FFFFFFF, v2  }
0x100: {  	v14 =	vld [tilespmem:s18+$0x20];
	v15 =	vnsel vm1, $0x7FFFFFFF, v4;
	vm6 =	vlt.s32 v10, v12;
	v3 =	vadd.s32 $0x40, v3  }
0x101: {  	v5 =	vadd.s32 $0x40, v5;
	v2 =	vadd.s32 $0x40, v2;
	v63 =	vadd.s32 $0x40, v4  }
0x102: {  	v62 =	vld [tilespmem:s18+$0x30];
	vm7 =	vlt.s32 v11, v61;
	vm8 =	vlt.s32 v9, v15;
	v10 =	vsel vm6, v10, v12  }
0x103: {  	v11 =	vsel vm7, v11, v61;
	vm9 =	veq.f32 v6, v1;
	vm10 =	veq.f32 v8, v1  }
0x104: {  	v9 =	vsel vm8, v9, v15;
	v3 =	vnsel vm9, $0x7FFFFFFF, v3;
	v5 =	vnsel vm10, $0x7FFFFFFF, v5  }
0x105: {  	vm11 =	veq.f32 v14, v1;
	vm12 =	vlt.s32 v7, v3;
	vm13 =	vlt.s32 v10, v5  }
0x106: {  	v3 =	vsel vm12, v7, v3;
	v2 =	vnsel vm11, $0x7FFFFFFF, v2;
	v5 =	vsel vm13, v10, v5  }
0x107: {  	vm14 =	veq.f32 v62, v1;
	vm15 =	vlt.s32 v11, v2;
	vm2 =	vlt.s32 v3, v5  }
0x108: {  	v4 =	vnsel vm14, $0x7FFFFFFF, v63;
	v2 =	vsel vm15, v11, v2;
	v3 =	vsel vm2, v3, v5  }
0x109: {  	vm0 =	vlt.s32 v9, v4;
	vm1 =	vlt.s32 v3, v2  }
0x10a: {  	v4 =	vsel vm0, v9, v4;
	v2 =	vsel vm1, v3, v2  }
0x10b: {  	vm0 =	vlt.s32 v2, v4  }
0x10c: {  	v2 =	vsel vm0, v2, v4  }
0x10d: {  	(v2sf) =	vpush v2, $0x0  }
0x10e: {  	(v2sf) =	vpush v2, $0x1;
	_ =	sdelay $0x1  }
0x10f: {  	(v2sf) =	vpush v2, $0x2;
	_ =	sdelay $0x1  }
0x110: {  	(v2sf) =	vpush v2, $0x3;
	_ =	sdelay $0x1  }
0x111: {  	(v2sf) =	vpush v2, $0x4;
	_ =	sdelay $0x1  }
0x112: {  	(v2sf) =	vpush v2, $0x5;
	_ =	sdelay $0x1  }
0x113: {  	(v2sf) =	vpush v2, $0x6;
	_ =	sdelay $0x1  }
0x114: {  	(v2sf) =	vpush v2, $0x7;
	_ =	sdelay $0x1  }
0x115: {  	s16 =	spop (v2sf);
	(v2sf) =	vpush v2, $0x8  }
0x116: {  	s18 =	spop (v2sf)  }
0x117: {  	(v2sf) =	vpush v2, $0x9;
	p0 =	slt.s32 s16, s18  }
0x118: {  	s18 =	smov.u32 @p0 s16;
	s16 =	spop (v2sf)  }
0x119: {  	(v2sf) =	vpush v2, $0xA;
	p0 =	slt.s32 s18, s16  }
0x11a: {  	s16 =	smov.u32 @p0 s18;
	s18 =	spop (v2sf)  }
0x11b: {  	(v2sf) =	vpush v2, $0xB;
	p0 =	slt.s32 s16, s18  }
0x11c: {  	s18 =	smov.u32 @p0 s16;
	s16 =	spop (v2sf)  }
0x11d: {  	(v2sf) =	vpush v2, $0xC;
	p0 =	slt.s32 s18, s16  }
0x11e: {  	s16 =	smov.u32 @p0 s18;
	s18 =	spop (v2sf)  }
0x11f: {  	(v2sf) =	vpush v2, $0xD;
	p0 =	slt.s32 s16, s18  }
0x120: {  	s18 =	smov.u32 @p0 s16;
	s16 =	spop (v2sf)  }
0x121: {  	(v2sf) =	vpush v2, $0xE;
	p0 =	slt.s32 s18, s16  }
0x122: {  	s16 =	smov.u32 @p0 s18;
	s18 =	spop (v2sf)  }
0x123: {  	(v2sf) =	vpush v2, $0xF;
	p0 =	slt.s32 s16, s18  }
0x124: {  	s18 =	smov.u32 @p0 s16;
	s16 =	spop (v2sf)  }
0x125: {  	p0 =	slt.s32 s18, s16  }
0x126: {  	s16 =	smov.u32 @p0 s18;
	s18 =	spop (v2sf)  }
0x127: {  	p0 =	slt.s32 s16, s18  }
0x128: {  	s18 =	smov.u32 @p0 s16;
	s16 =	spop (v2sf)  }
0x129: {  	p0 =	slt.s32 s18, s16  }
0x12a: {  	s16 =	smov.u32 @p0 s18;
	s18 =	spop (v2sf)  }
0x12b: {  	p0 =	slt.s32 s16, s18  }
0x12c: {  	s18 =	smov.u32 @p0 s16;
	s16 =	spop (v2sf)  }
0x12d: {  	p0 =	slt.s32 s18, s16  }
0x12e: {  	s16 =	smov.u32 @p0 s18;
	s18 =	spop (v2sf)  }
0x12f: {  	p0 =	slt.s32 s16, s18  }
0x130: {  	s18 =	smov.u32 @p0 s16;
	s16 =	spop (v2sf)  }
0x131: {  	p0 =	slt.s32 s18, s16  }
0x132: {  	s16 =	smov.u32 @p0 s18;
	s18 =	spop (v2sf)  }
0x133: {  	p0 =	slt.s32 s16, s18  }
0x134: {  	s18 =	smov.u32 @p0 s16  }
0x135: {  	s16 =	sadd.s32 s17, s18  }
0x136: {  	[tilespmem:$0x4000] =	vst v1;
	v1 =	vmov s16  }
0x137: {  	[tilespmem:$0x4080] =	vst v1  }
0x138: {  	[hbm4b:s7+s3] =	stream.linear.scatter [tilespmem:s12], [sflag:$0x3], $0x80, $0x38;
	[tilespmem:$0x4100] =	vst v63  }
0x139: {  	s15 =	sadd.s32 $0x1, s15;
	_ =	swait.ge [sflag:s13], $0x80  }
0x13a: {  	p0 =	sne.s32 s15, s9;
	[sflag:s13] =	ssyncset.done $0x0  }
.Ltmp6:
0x13b: {  	[sflag:s13] =	ssyncadd.s32 $0xFFFFFF80;
	(pc) =	sbr.rel @p0 .LBB2_1-.Ltmp6, $4  }
0x13c: {  	[hbm4b:s8+s3] =	stream.linear.scatter [tilespmem:s14], [sflag:$0x3], $0x80, $0x38;
	[tilespmem:$0x4100] =	vst v63  }
0x13d: {  	_ =	swait.ge [sflag:s13], $0x80  }
0x13e: {  	[sflag:s13] =	ssyncset.done $0x0  }
0x13f: {  	[sflag:s13] =	ssyncadd.s32 $0xFFFFFF80  }
0x140: {  	_ =	sfence.sel $0x180000  }
0x141: {  	[bflag:$0x0] =	sbarrier.arrive $0xFFFF  }
0x142: {  	p0 =	sne.s32 s0, $0x0;
	_ =	strace $0x90000047  }
0x143: {  	s0 =	sadd.s32 @!p0 $0x100000, s1;
	[bflag:$0x2] =	sbarrier.arrive $0xFFFF  }
0x144: {  	[sflag:s0] =	ssyncadd.tile.s32 @!p0 $0x1;
	_ =	shalt  }
.Lfunc_end2:
_tile_overlayer_lowered:
.L_overlay_start_2:
0x145: {  	(tag) =	ssettag $0x2  }
0x146: {  	s0 =	rddreg [dreg:$0x0];
	s2 =	stileid.u32  }
0x147: {  	s1 =	rddreg [dreg:$0x1];
	p0 =	sne.s32 s2, $0x0  }
0x148: {  	s3 =	rddreg [dreg:$0x2];
	[bflag:$0x3] =	sbarrier.arrive $0xFFFF;
	s2 =	simm.s32 @!p0 $0x1C03  }
0x149: {  	[timem:s3], [sflag:s2] =	dma.local @!p0 [hbm:s0], s1  }
0x14a: {  	s0 =	simm.s32 @!p0 $0x3  }
0x14b: {  	_ =	swait.ge @!p0 [sflag:s0], s1  }
0x14c: {  	s1 =	ssub.s32 @!p0 $0x0, s1;
	[sflag:s0] =	ssyncset.done @!p0 $0x0  }
0x14d: {  	[sflag:s0] =	ssyncadd.s32 @!p0 s1  }
0x14e: {  	[bflag:$0x3] =	sbarrier.arrive $0xFFFF  }
0x14f: {  	_ =	shalt  }

</sc_bundles>
